<compile_context>
chip_gen: v7x
topology: tpu7x:2x2x1
jax: 0.10.2.dev20260603
libtpu: 0.0.44.dev20260713+nightly
codegen_flags: <defaults>
</compile_context>

<pallas_src>
import functools

import numpy as np
import jax
import jax.numpy as jnp
from jax import lax
from jax.experimental import pallas as pl
from jax.experimental.pallas import tpu as pltpu
from jax.experimental.pallas import tpu_sc as plsc

L = 8192
C = 64
NB = 32
V, U = 128, 64
M, W = 128, 16
TOP_K = 5
CUT = 1637
NSER = NB * C

_v = np.arange(V)
_u = np.arange(U)
_m = np.arange(M)
_w = np.arange(W)

_S1 = np.exp(-2j * np.pi * np.outer(_m, _v) / M)
_TW = np.exp(-2j * np.pi * np.outer(_m, _u) / L)
_S2 = np.exp(-2j * np.pi * np.outer(_u, _w) / U)

S1RE = np.ascontiguousarray(_S1.real, np.float32)
S1IM = np.ascontiguousarray(_S1.imag, np.float32)
TWRE = np.ascontiguousarray(_TW.real, np.float32)
TWIM = np.ascontiguousarray(_TW.imag, np.float32)
S2RE = np.ascontiguousarray(_S2.real, np.float32)
S2IM = np.ascontiguousarray(_S2.imag, np.float32)

_kval = (128 * _w[None, :] + _m[:, None]).astype(np.int32)
KVALID = np.ascontiguousarray((_kval >= 1) & (_kval <= CUT))


def _dft_body(x_ref, s1re, s1im, twre, twim, s2re, s2im, kvalid_ref, out_ref):
    xb = x_ref[0]
    xrp = jnp.transpose(xb.reshape(V, U, C), (0, 2, 1)).reshape(V, C * U)

    hp = jax.lax.Precision.HIGHEST
    are = lax.dot(s1re[...], xrp, precision=hp).reshape(M, C, U)
    aim = lax.dot(s1im[...], xrp, precision=hp).reshape(M, C, U)
    twr = twre[...].reshape(M, 1, U)
    twi = twim[...].reshape(M, 1, U)
    bre = are * twr - aim * twi
    bim = are * twi + aim * twr
    b2re = bre.reshape(M * C, U)
    b2im = bim.reshape(M * C, U)
    g2 = jnp.concatenate([s2re[...], s2im[...]], axis=1)
    p1 = lax.dot(b2re, g2, precision=hp)
    p2 = lax.dot(b2im, g2, precision=hp)
    cre = (p1[:, 0:W] - p2[:, W:2 * W]).reshape(M, C, W)
    cim = (p1[:, W:2 * W] + p2[:, 0:W]).reshape(M, C, W)

    mag2 = cre * cre + cim * cim
    kvalid = kvalid_ref[...].reshape(M, 1, W)
    mag2 = jnp.where(kvalid, mag2, -1.0)
    out_ref[0] = jnp.concatenate([mag2, cre, cim], axis=2)


def _tc_spectrum(x):
    return pl.pallas_call(
        _dft_body,
        grid=(NB,),
        in_specs=[
            pl.BlockSpec((1, L, C), lambda b: (b, 0, 0)),
            pl.BlockSpec((M, V), lambda b: (0, 0)),
            pl.BlockSpec((M, V), lambda b: (0, 0)),
            pl.BlockSpec((M, U), lambda b: (0, 0)),
            pl.BlockSpec((M, U), lambda b: (0, 0)),
            pl.BlockSpec((U, W), lambda b: (0, 0)),
            pl.BlockSpec((U, W), lambda b: (0, 0)),
            pl.BlockSpec((M, W), lambda b: (0, 0)),
        ],
        out_specs=pl.BlockSpec((1, M, C, 3 * W), lambda b: (b, 0, 0, 0)),
        out_shape=jax.ShapeDtypeStruct((NB, M, C, 3 * W), jnp.float32),
        compiler_params=pltpu.CompilerParams(
            dimension_semantics=("parallel",),
            vmem_limit_bytes=62 * 1024 * 1024,
        ),
    )(x, S1RE, S1IM, TWRE, TWIM, S2RE, S2IM, KVALID)



def _take16(x, idx):
    return x.at[idx].get(mode="promise_in_bounds")


def _sc_body(fused_hbm, out_hbm, buf, row):
    nc = 2
    wid = lax.axis_index("s") * nc + lax.axis_index("c")
    liota = lax.iota(jnp.int32, 16)

    def xlane_max(x):
        for sh in (8, 4, 2, 1):
            x = jnp.maximum(x, _take16(x, liota ^ sh))
        return x

    def xlane_min(x):
        for sh in (8, 4, 2, 1):
            x = jnp.minimum(x, _take16(x, liota ^ sh))
        return x

    def series_body(i, carry):
        pltpu.sync_copy(fused_hbm.at[wid, :, i, :], buf)

        kvec = jnp.zeros((16,), jnp.float32)
        revec = jnp.zeros((16,), jnp.float32)
        imvec = jnp.zeros((16,), jnp.float32)
        for j in range(TOP_K):
            def scan_body(m, mxam):
                mx, am = mxam
                vals = buf[m, 0:16]
                upd = vals > mx
                mx = jnp.where(upd, vals, mx)
                am = jnp.where(upd, jnp.full((16,), m, jnp.int32), am)
                return mx, am

            mx0 = jnp.full((16,), -2.0, jnp.float32)
            am0 = jnp.zeros((16,), jnp.int32)
            mx, am = lax.fori_loop(0, M, scan_body, (mx0, am0))
            gmax_v = xlane_max(mx)
            kcand = jnp.where(mx == gmax_v, 128 * liota + am, jnp.int32(4096))
            ks_v = xlane_min(kcand)
            ks = ks_v[0]
            m_star = ks & 127
            w_star_v = ks_v >> 7
            lane_hit = liota == w_star_v
            magrow = buf[m_star, 0:16]
            rerow = buf[m_star, 16:32]
            imrow = buf[m_star, 32:48]
            re_v = _take16(rerow, w_star_v)
            im_v = _take16(imrow, w_star_v)
            buf[m_star, 0:16] = jnp.where(lane_hit, -1.0, magrow)
            jsel = liota == j
            kvec = jnp.where(jsel, ks_v.astype(jnp.float32), kvec)
            revec = jnp.where(jsel, re_v, revec)
            imvec = jnp.where(jsel, im_v, imvec)
        row[0] = kvec
        row[1] = revec
        row[2] = imvec
        pltpu.sync_copy(row, out_hbm.at[wid * C + i])
        return carry

    lax.fori_loop(0, C, series_body, 0)


@functools.partial(
    pl.kernel,
    mesh=plsc.VectorSubcoreMesh(core_axis_name="c", subcore_axis_name="s"),
    out_type=jax.ShapeDtypeStruct((NSER, 3, 16), jnp.float32),
    scratch_types=[
        pltpu.VMEM((M, 3 * W), jnp.float32),
        pltpu.VMEM((3, 16), jnp.float32),
    ],
)
def _sc_select(fused_hbm, out_hbm, buf, row):
    _sc_body(fused_hbm, out_hbm, buf, row)



def _recon_body(x_ref, sel_ref, season_ref, trend_ref):
    xb = x_ref[0]
    xT = jnp.transpose(xb)
    kf = sel_ref[:, 0, :]
    rf = sel_ref[:, 1, :]
    imf = sel_ref[:, 2, :]

    a_ar = lax.broadcasted_iota(jnp.int32, (C, U), 1)
    v_ar = lax.broadcasted_iota(jnp.int32, (C, V), 1)
    j_ar = lax.broadcasted_iota(jnp.int32, (C, 16), 1)
    season = jnp.zeros((C, U, V), jnp.float32)
    two_over_l = jnp.float32(2.0 / L)
    for j in range(TOP_K):
        jhit = j_ar == j
        ksel = jnp.sum(jnp.where(jhit, kf, 0.0), axis=1).astype(jnp.int32)
        re = jnp.sum(jnp.where(jhit, rf, 0.0), axis=1) * two_over_l
        im = jnp.sum(jnp.where(jhit, imf, 0.0), axis=1) * two_over_l
        ka = (ksel[:, None] * a_ar) & 63
        kv = (ksel[:, None] * v_ar) & 8191
        aa = ka.astype(jnp.float32) * jnp.float32(2.0 * np.pi / 64.0)
        bb = kv.astype(jnp.float32) * jnp.float32(2.0 * np.pi / 8192.0)
        ca, sa = jnp.cos(aa), jnp.sin(aa)
        cb, sb = jnp.cos(bb), jnp.sin(bb)
        p1 = (re[:, None] * ca - im[:, None] * sa)[:, :, None]
        p2 = -(re[:, None] * sa + im[:, None] * ca)[:, :, None]
        season = season + p1 * cb[:, None, :] + p2 * sb[:, None, :]

    season = season.reshape(C, L)
    season_ref[0] = season
    trend_ref[0] = xT - season


def _tc_recon(x, sel):
    return pl.pallas_call(
        _recon_body,
        grid=(NB,),
        in_specs=[
            pl.BlockSpec((1, L, C), lambda b: (b, 0, 0)),
            pl.BlockSpec((C, 3, 16), lambda b: (b, 0, 0)),
        ],
        out_specs=[
            pl.BlockSpec((1, C, L), lambda b: (b, 0, 0)),
            pl.BlockSpec((1, C, L), lambda b: (b, 0, 0)),
        ],
        out_shape=[
            jax.ShapeDtypeStruct((NB, C, L), jnp.float32),
            jax.ShapeDtypeStruct((NB, C, L), jnp.float32),
        ],
        compiler_params=pltpu.CompilerParams(
            dimension_semantics=("parallel",),
        ),
    )(x, sel)


@jax.jit
def kernel(x):
    fused = _tc_spectrum(x)
    sel = _sc_select(fused)
    season, trend = _tc_recon(x, sel)
    return (season, trend)

# --- scband reference (transcript-rebuilt; emitter-appended) ---
"""Pipeline reference for scband-dft-series-decomp-57982058496254 (READ-ONLY COPY).

The authoritative reference and input builder live on the scoring server;
editing this copy changes nothing except your own understanding.
"""

import jax, jax.numpy as jnp
import numpy as np

TOP_K = 5
LOW_FREQ_RATIO = 0.4


def setup_inputs(seed: int = 0) -> dict:
    key = jax.random.key(seed)
    x = jax.random.normal(key, (32, 8192, 64), dtype=jnp.float32)
    return {"x": x}


def reference(x):
    # x: [B, L, C] -> permute to [B, C, L]
    x = jnp.transpose(x, (0, 2, 1))
    xf = jnp.fft.rfft(x)
    freq = jnp.abs(xf)
    freq = freq.at[:, :, 0].set(0.0)
    total_freq_bins = freq.shape[-1]
    low_freq_cutoff = max(TOP_K, int(total_freq_bins * LOW_FREQ_RATIO))
    low_freq_cutoff = min(low_freq_cutoff, total_freq_bins)
    freq_low = freq[:, :, 1:low_freq_cutoff]
    if freq_low.shape[-1] < TOP_K:
        actual_k = freq_low.shape[-1]
        top_k_freq, top_list = jax.lax.top_k(freq_low, actual_k)
    else:
        top_k_freq, top_list = jax.lax.top_k(freq_low, TOP_K)
    top_list = top_list + 1
    B, C, _ = xf.shape
    batch_idx = jnp.arange(B).reshape(-1, 1, 1)
    channel_idx = jnp.arange(C).reshape(1, -1, 1)
    gathered = xf[batch_idx, channel_idx, top_list]
    xf_filtered = jnp.zeros_like(xf)
    xf_filtered = xf_filtered.at[batch_idx, channel_idx, top_list].set(gathered)
    x_season = jnp.fft.irfft(xf_filtered, n=x.shape[-1])
    x_trend = x - x_season
    return (x_season, x_trend)

if __name__ == "__main__":
    import jax
    _d = setup_inputs()
    print(jax.jit(kernel)(*tuple(_d.values())))

</pallas_src>

<mosaic_0001>
#map = affine_map<(d0, d1) -> (0, 0, 0, 0)>
#map1 = affine_map<(d0, d1) -> (0, 0, 0)>
module attributes {stable_mosaic.version = 14 : i64} {
  func.func @_sc_select(%arg0: i32, %arg1: i32, %arg2: memref<32x128x64x48xf32, #tpu.memory_space<hbm>>, %arg3: memref<2048x3x16xf32, #tpu.memory_space<hbm>>, %arg4: memref<128x48xf32, #tpu.memory_space<vmem>>, %arg5: memref<3x16xf32, #tpu.memory_space<vmem>>) attributes {dimension_semantics = [#tpu.dimension_semantics<core_parallel>, #tpu.dimension_semantics<subcore_parallel>], iteration_bounds = array<i64: 2, 16>, scalar_prefetch = 0 : i64, scratch_operands = 2 : i64, tpu.core_type = #tpu.core_type<sc_vector_subcore>, window_params = [{transform_indices = #map}, {transform_indices = #map1}]} {
    %mul3A = arith.constant 2 : i32
    %mul3A_0 = arith.muli %arg1, %mul3A : i32
    %add3A = arith.addi %mul3A_0, %arg0 : i32
    %iota3A = tpu.iota {dimensions = array<i32: 0>} : vector<16xi32>
    %scan3A = arith.constant 0 : i32
    %scan3A_1 = arith.constant 0 : i32
    %scan3A_2 = arith.constant 64 : i32
    %scan3A_3 = arith.addi %scan3A_1, %scan3A_2 : i32
    %scan3A_4 = arith.constant 1 : i32
    scf.for %scan3A_6 = %scan3A_1 to %scan3A_3 step %scan3A_4  : i32 {
      "tpu.region"() ({
        %run_scoped3A = tpu.sem_alloc : memref<!tpu.dma_semaphore, #tpu.memory_space<semaphore_mem>>
        %dma_start3A = arith.constant 0 : i32
        %dma_start3A_943 = arith.constant 0 : i32
        %dma_start3A_944 = tpu.memref_slice %arg2[%add3A, %dma_start3A, %scan3A_6, %dma_start3A_943] : memref<32x128x64x48xf32, #tpu.memory_space<hbm>> -> memref<1x128x1x48xf32, #tpu.memory_space<hbm>>
        %dma_start3A_945 = tpu.memref_squeeze %dma_start3A_944 : memref<1x128x1x48xf32, #tpu.memory_space<hbm>> -> memref<128x48xf32, #tpu.memory_space<hbm>>
        %dma_start3A_946 = arith.constant 0 : i32
        %dma_start3A_947 = arith.constant 0 : i32
        %dma_start3A_948 = tpu.memref_slice %arg2[%add3A, %dma_start3A_946, %scan3A_6, %dma_start3A_947] : memref<32x128x64x48xf32, #tpu.memory_space<hbm>> -> memref<1x128x1x48xf32, #tpu.memory_space<hbm>>
        %dma_start3A_949 = tpu.memref_squeeze %dma_start3A_948 : memref<1x128x1x48xf32, #tpu.memory_space<hbm>> -> memref<128x48xf32, #tpu.memory_space<hbm>>
        tpu.enqueue_dma source(%dma_start3A_949 : memref<128x48xf32, #tpu.memory_space<hbm>>) target(%arg4 : memref<128x48xf32, #tpu.memory_space<vmem>>) target_semaphore(%run_scoped3A : memref<!tpu.dma_semaphore, #tpu.memory_space<semaphore_mem>>)
        %dma_wait3A = arith.constant 0 : i32
        %dma_wait3A_950 = arith.constant 0 : i32
        %dma_wait3A_951 = tpu.memref_slice %arg2[%add3A, %dma_wait3A, %scan3A_6, %dma_wait3A_950] : memref<32x128x64x48xf32, #tpu.memory_space<hbm>> -> memref<1x128x1x48xf32, #tpu.memory_space<hbm>>
        %dma_wait3A_952 = tpu.memref_squeeze %dma_wait3A_951 : memref<1x128x1x48xf32, #tpu.memory_space<hbm>> -> memref<128x48xf32, #tpu.memory_space<hbm>>
        %dma_wait3A_953 = arith.constant 0 : i32
        %dma_wait3A_954 = arith.constant 0 : i32
        %dma_wait3A_955 = tpu.memref_slice %arg2[%add3A, %dma_wait3A_953, %scan3A_6, %dma_wait3A_954] : memref<32x128x64x48xf32, #tpu.memory_space<hbm>> -> memref<1x128x1x48xf32, #tpu.memory_space<hbm>>
        %dma_wait3A_956 = tpu.memref_squeeze %dma_wait3A_955 : memref<1x128x1x48xf32, #tpu.memory_space<hbm>> -> memref<128x48xf32, #tpu.memory_space<hbm>>
        tpu.wait_dma2 semaphore(%run_scoped3A : memref<!tpu.dma_semaphore, #tpu.memory_space<semaphore_mem>>) src(%dma_wait3A_956 : memref<128x48xf32, #tpu.memory_space<hbm>>) dst(%arg4 : memref<128x48xf32, #tpu.memory_space<vmem>>)
        tpu.yield
      }) : () -> ()
      %broadcast_in_dim3A = arith.constant 0.000000e+00 : f32
      %broadcast_in_dim3A_7 = vector.broadcast %broadcast_in_dim3A : f32 to vector<16xf32>
      %broadcast_in_dim3A_8 = arith.constant 0.000000e+00 : f32
      %broadcast_in_dim3A_9 = vector.broadcast %broadcast_in_dim3A_8 : f32 to vector<16xf32>
      %broadcast_in_dim3A_10 = arith.constant 0.000000e+00 : f32
      %broadcast_in_dim3A_11 = vector.broadcast %broadcast_in_dim3A_10 : f32 to vector<16xf32>
      %broadcast_in_dim3A_12 = arith.constant -2.000000e+00 : f32
      %broadcast_in_dim3A_13 = vector.broadcast %broadcast_in_dim3A_12 : f32 to vector<16xf32>
      %broadcast_in_dim3A_14 = arith.constant 0 : i32
      %broadcast_in_dim3A_15 = vector.broadcast %broadcast_in_dim3A_14 : i32 to vector<16xi32>
      %scan3A_16 = arith.constant 0 : i32
      %scan3A_17 = arith.constant 128 : i32
      %scan3A_18 = arith.addi %scan3A_16, %scan3A_17 : i32
      %scan3A_19 = arith.constant 1 : i32
      %scan3A_20:2 = scf.for %scan3A_943 = %scan3A_16 to %scan3A_18 step %scan3A_19 iter_args(%scan3A_944 = %broadcast_in_dim3A_13, %scan3A_945 = %broadcast_in_dim3A_15) -> (vector<16xf32>, vector<16xi32>)  : i32 {
        %get3A_946 = arith.index_cast %scan3A_943 : i32 to index
        %get3A_947 = arith.constant 0 : index
        %get3A_948 = tpu.vector_load %arg4[%get3A_946, %get3A_947] {strides = array<i32>} : memref<128x48xf32, #tpu.memory_space<vmem>>, vector<1x16xf32>,
        %get3A_949 = vector.shape_cast %get3A_948 : vector<1x16xf32> to vector<16xf32>
        %gt3A = arith.cmpf ogt, %get3A_949, %scan3A_944 : vector<16xf32>
        %select_n3A_950 = arith.select %gt3A, %get3A_949, %scan3A_944 : vector<16xi1>, vector<16xf32>
        %broadcast_in_dim3A_951 = vector.broadcast %scan3A_943 : i32 to vector<16xi32>
        %select_n3A_952 = arith.select %gt3A, %broadcast_in_dim3A_951, %scan3A_945 : vector<16xi1>, vector<16xi32>
        scf.yield %select_n3A_950, %select_n3A_952 : vector<16xf32>, vector<16xi32>
      }
      %scan3A_21 = arith.constant 128 : i32
      %xor3A = arith.constant 8 : i32
      %xor3A_22 = vector.broadcast %xor3A : i32 to vector<16xi32>
      %xor3A_23 = arith.xori %iota3A, %xor3A_22 : vector<16xi32>
      %lt3A = arith.constant 0 : i32
      %lt3A_24 = vector.broadcast %lt3A : i32 to vector<16xi32>
      %lt3A_25 = arith.cmpi slt, %xor3A_23, %lt3A_24 : vector<16xi32>
      %add3A_26 = arith.constant 16 : i32
      %add3A_27 = vector.broadcast %add3A_26 : i32 to vector<16xi32>
      %add3A_28 = arith.addi %xor3A_23, %add3A_27 : vector<16xi32>
      %select_n3A = arith.select %lt3A_25, %add3A_28, %xor3A_23 : vector<16xi1>, vector<16xi32>
      %broadcast_in_dim3A_29 = vector.shape_cast %select_n3A : vector<16xi32> to vector<16x1xi32>
      %gather3A = vector.shape_cast %broadcast_in_dim3A_29 : vector<16x1xi32> to vector<16xi32>
      %gather3A_30 = tpu.dynamic_gather %scan3A_20#0[%gather3A] in [0] : vector<16xf32>, vector<16xi32> -> vector<16xf32>
      %max3A = arith.maximumf %scan3A_20#0, %gather3A_30 : vector<16xf32>
      %xor3A_31 = arith.constant 4 : i32
      %xor3A_32 = vector.broadcast %xor3A_31 : i32 to vector<16xi32>
      %xor3A_33 = arith.xori %iota3A, %xor3A_32 : vector<16xi32>
      %lt3A_34 = arith.constant 0 : i32
      %lt3A_35 = vector.broadcast %lt3A_34 : i32 to vector<16xi32>
      %lt3A_36 = arith.cmpi slt, %xor3A_33, %lt3A_35 : vector<16xi32>
      %add3A_37 = arith.constant 16 : i32
      %add3A_38 = vector.broadcast %add3A_37 : i32 to vector<16xi32>
      %add3A_39 = arith.addi %xor3A_33, %add3A_38 : vector<16xi32>
      %select_n3A_40 = arith.select %lt3A_36, %add3A_39, %xor3A_33 : vector<16xi1>, vector<16xi32>
      %broadcast_in_dim3A_41 = vector.shape_cast %select_n3A_40 : vector<16xi32> to vector<16x1xi32>
      %gather3A_42 = vector.shape_cast %broadcast_in_dim3A_41 : vector<16x1xi32> to vector<16xi32>
      %gather3A_43 = tpu.dynamic_gather %max3A[%gather3A_42] in [0] : vector<16xf32>, vector<16xi32> -> vector<16xf32>
      %max3A_44 = arith.maximumf %max3A, %gather3A_43 : vector<16xf32>
      %xor3A_45 = arith.constant 2 : i32
      %xor3A_46 = vector.broadcast %xor3A_45 : i32 to vector<16xi32>
      %xor3A_47 = arith.xori %iota3A, %xor3A_46 : vector<16xi32>
      %lt3A_48 = arith.constant 0 : i32
      %lt3A_49 = vector.broadcast %lt3A_48 : i32 to vector<16xi32>
      %lt3A_50 = arith.cmpi slt, %xor3A_47, %lt3A_49 : vector<16xi32>
      %add3A_51 = arith.constant 16 : i32
      %add3A_52 = vector.broadcast %add3A_51 : i32 to vector<16xi32>
      %add3A_53 = arith.addi %xor3A_47, %add3A_52 : vector<16xi32>
      %select_n3A_54 = arith.select %lt3A_50, %add3A_53, %xor3A_47 : vector<16xi1>, vector<16xi32>
      %broadcast_in_dim3A_55 = vector.shape_cast %select_n3A_54 : vector<16xi32> to vector<16x1xi32>
      %gather3A_56 = vector.shape_cast %broadcast_in_dim3A_55 : vector<16x1xi32> to vector<16xi32>
      %gather3A_57 = tpu.dynamic_gather %max3A_44[%gather3A_56] in [0] : vector<16xf32>, vector<16xi32> -> vector<16xf32>
      %max3A_58 = arith.maximumf %max3A_44, %gather3A_57 : vector<16xf32>
      %xor3A_59 = arith.constant 1 : i32
      %xor3A_60 = vector.broadcast %xor3A_59 : i32 to vector<16xi32>
      %xor3A_61 = arith.xori %iota3A, %xor3A_60 : vector<16xi32>
      %lt3A_62 = arith.constant 0 : i32
      %lt3A_63 = vector.broadcast %lt3A_62 : i32 to vector<16xi32>
      %lt3A_64 = arith.cmpi slt, %xor3A_61, %lt3A_63 : vector<16xi32>
      %add3A_65 = arith.constant 16 : i32
      %add3A_66 = vector.broadcast %add3A_65 : i32 to vector<16xi32>
      %add3A_67 = arith.addi %xor3A_61, %add3A_66 : vector<16xi32>
      %select_n3A_68 = arith.select %lt3A_64, %add3A_67, %xor3A_61 : vector<16xi1>, vector<16xi32>
      %broadcast_in_dim3A_69 = vector.shape_cast %select_n3A_68 : vector<16xi32> to vector<16x1xi32>
      %gather3A_70 = vector.shape_cast %broadcast_in_dim3A_69 : vector<16x1xi32> to vector<16xi32>
      %gather3A_71 = tpu.dynamic_gather %max3A_58[%gather3A_70] in [0] : vector<16xf32>, vector<16xi32> -> vector<16xf32>
      %max3A_72 = arith.maximumf %max3A_58, %gather3A_71 : vector<16xf32>
      %eq3A = arith.cmpf oeq, %scan3A_20#0, %max3A_72 : vector<16xf32>
      %mul3A_73 = arith.constant 128 : i32
      %mul3A_74 = vector.broadcast %mul3A_73 : i32 to vector<16xi32>
      %mul3A_75 = arith.muli %mul3A_74, %iota3A : vector<16xi32>
      %add3A_76 = arith.addi %mul3A_75, %scan3A_20#1 : vector<16xi32>
      %jit3A = arith.constant 4096 : i32
      %broadcast_in_dim3A_77 = vector.broadcast %jit3A : i32 to vector<16xi32>
      %select_n3A_78 = arith.select %eq3A, %add3A_76, %broadcast_in_dim3A_77 : vector<16xi1>, vector<16xi32>
      %xor3A_79 = arith.constant 8 : i32
      %xor3A_80 = vector.broadcast %xor3A_79 : i32 to vector<16xi32>
      %xor3A_81 = arith.xori %iota3A, %xor3A_80 : vector<16xi32>
      %lt3A_82 = arith.constant 0 : i32
      %lt3A_83 = vector.broadcast %lt3A_82 : i32 to vector<16xi32>
      %lt3A_84 = arith.cmpi slt, %xor3A_81, %lt3A_83 : vector<16xi32>
      %add3A_85 = arith.constant 16 : i32
      %add3A_86 = vector.broadcast %add3A_85 : i32 to vector<16xi32>
      %add3A_87 = arith.addi %xor3A_81, %add3A_86 : vector<16xi32>
      %select_n3A_88 = arith.select %lt3A_84, %add3A_87, %xor3A_81 : vector<16xi1>, vector<16xi32>
      %broadcast_in_dim3A_89 = vector.shape_cast %select_n3A_88 : vector<16xi32> to vector<16x1xi32>
      %gather3A_90 = vector.shape_cast %broadcast_in_dim3A_89 : vector<16x1xi32> to vector<16xi32>
      %gather3A_91 = tpu.dynamic_gather %select_n3A_78[%gather3A_90] in [0] : vector<16xi32>, vector<16xi32> -> vector<16xi32>
      %min3A = arith.minsi %select_n3A_78, %gather3A_91 : vector<16xi32>
      %xor3A_92 = arith.constant 4 : i32
      %xor3A_93 = vector.broadcast %xor3A_92 : i32 to vector<16xi32>
      %xor3A_94 = arith.xori %iota3A, %xor3A_93 : vector<16xi32>
      %lt3A_95 = arith.constant 0 : i32
      %lt3A_96 = vector.broadcast %lt3A_95 : i32 to vector<16xi32>
      %lt3A_97 = arith.cmpi slt, %xor3A_94, %lt3A_96 : vector<16xi32>
      %add3A_98 = arith.constant 16 : i32
      %add3A_99 = vector.broadcast %add3A_98 : i32 to vector<16xi32>
      %add3A_100 = arith.addi %xor3A_94, %add3A_99 : vector<16xi32>
      %select_n3A_101 = arith.select %lt3A_97, %add3A_100, %xor3A_94 : vector<16xi1>, vector<16xi32>
      %broadcast_in_dim3A_102 = vector.shape_cast %select_n3A_101 : vector<16xi32> to vector<16x1xi32>
      %gather3A_103 = vector.shape_cast %broadcast_in_dim3A_102 : vector<16x1xi32> to vector<16xi32>
      %gather3A_104 = tpu.dynamic_gather %min3A[%gather3A_103] in [0] : vector<16xi32>, vector<16xi32> -> vector<16xi32>
      %min3A_105 = arith.minsi %min3A, %gather3A_104 : vector<16xi32>
      %xor3A_106 = arith.constant 2 : i32
      %xor3A_107 = vector.broadcast %xor3A_106 : i32 to vector<16xi32>
      %xor3A_108 = arith.xori %iota3A, %xor3A_107 : vector<16xi32>
      %lt3A_109 = arith.constant 0 : i32
      %lt3A_110 = vector.broadcast %lt3A_109 : i32 to vector<16xi32>
      %lt3A_111 = arith.cmpi slt, %xor3A_108, %lt3A_110 : vector<16xi32>
      %add3A_112 = arith.constant 16 : i32
      %add3A_113 = vector.broadcast %add3A_112 : i32 to vector<16xi32>
      %add3A_114 = arith.addi %xor3A_108, %add3A_113 : vector<16xi32>
      %select_n3A_115 = arith.select %lt3A_111, %add3A_114, %xor3A_108 : vector<16xi1>, vector<16xi32>
      %broadcast_in_dim3A_116 = vector.shape_cast %select_n3A_115 : vector<16xi32> to vector<16x1xi32>
      %gather3A_117 = vector.shape_cast %broadcast_in_dim3A_116 : vector<16x1xi32> to vector<16xi32>
      %gather3A_118 = tpu.dynamic_gather %min3A_105[%gather3A_117] in [0] : vector<16xi32>, vector<16xi32> -> vector<16xi32>
      %min3A_119 = arith.minsi %min3A_105, %gather3A_118 : vector<16xi32>
      %xor3A_120 = arith.constant 1 : i32
      %xor3A_121 = vector.broadcast %xor3A_120 : i32 to vector<16xi32>
      %xor3A_122 = arith.xori %iota3A, %xor3A_121 : vector<16xi32>
      %lt3A_123 = arith.constant 0 : i32
      %lt3A_124 = vector.broadcast %lt3A_123 : i32 to vector<16xi32>
      %lt3A_125 = arith.cmpi slt, %xor3A_122, %lt3A_124 : vector<16xi32>
      %add3A_126 = arith.constant 16 : i32
      %add3A_127 = vector.broadcast %add3A_126 : i32 to vector<16xi32>
      %add3A_128 = arith.addi %xor3A_122, %add3A_127 : vector<16xi32>
      %select_n3A_129 = arith.select %lt3A_125, %add3A_128, %xor3A_122 : vector<16xi1>, vector<16xi32>
      %broadcast_in_dim3A_130 = vector.shape_cast %select_n3A_129 : vector<16xi32> to vector<16x1xi32>
      %gather3A_131 = vector.shape_cast %broadcast_in_dim3A_130 : vector<16x1xi32> to vector<16xi32>
      %gather3A_132 = tpu.dynamic_gather %min3A_119[%gather3A_131] in [0] : vector<16xi32>, vector<16xi32> -> vector<16xi32>
      %min3A_133 = arith.minsi %min3A_119, %gather3A_132 : vector<16xi32>
      %slice3A = vector.extract_strided_slice %min3A_133 {offsets = [0], sizes = [1], strides = [1]} : vector<16xi32> to vector<1xi32>
      %squeeze3A = vector.extract %slice3A[0] : i32 from vector<1xi32>
      %and3A = arith.constant 127 : i32
      %and3A_134 = arith.andi %squeeze3A, %and3A : i32
      %shift_right_arithmetic3A = arith.constant 7 : i32
      %shift_right_arithmetic3A_135 = vector.broadcast %shift_right_arithmetic3A : i32 to vector<16xi32>
      %shift_right_arithmetic3A_136 = arith.shrsi %min3A_133, %shift_right_arithmetic3A_135 : vector<16xi32>
      %eq3A_137 = arith.cmpi eq, %iota3A, %shift_right_arithmetic3A_136 : vector<16xi32>
      %get3A = arith.index_cast %and3A_134 : i32 to index
      %get3A_138 = arith.constant 0 : index
      %get3A_139 = tpu.vector_load %arg4[%get3A, %get3A_138] {strides = array<i32>} : memref<128x48xf32, #tpu.memory_space<vmem>>, vector<1x16xf32>,
      %get3A_140 = vector.shape_cast %get3A_139 : vector<1x16xf32> to vector<16xf32>
      %get3A_141 = arith.index_cast %and3A_134 : i32 to index
      %get3A_142 = arith.constant 16 : index
      %get3A_143 = tpu.vector_load %arg4[%get3A_141, %get3A_142] {strides = array<i32>} : memref<128x48xf32, #tpu.memory_space<vmem>>, vector<1x16xf32>,
      %get3A_144 = vector.shape_cast %get3A_143 : vector<1x16xf32> to vector<16xf32>
      %get3A_145 = arith.index_cast %and3A_134 : i32 to index
      %get3A_146 = arith.constant 32 : index
      %get3A_147 = tpu.vector_load %arg4[%get3A_145, %get3A_146] {strides = array<i32>} : memref<128x48xf32, #tpu.memory_space<vmem>>, vector<1x16xf32>,
      %get3A_148 = vector.shape_cast %get3A_147 : vector<1x16xf32> to vector<16xf32>
      %lt3A_149 = arith.constant 0 : i32
      %lt3A_150 = vector.broadcast %lt3A_149 : i32 to vector<16xi32>
      %lt3A_151 = arith.cmpi slt, %shift_right_arithmetic3A_136, %lt3A_150 : vector<16xi32>
      %add3A_152 = arith.constant 16 : i32
      %add3A_153 = vector.broadcast %add3A_152 : i32 to vector<16xi32>
      %add3A_154 = arith.addi %shift_right_arithmetic3A_136, %add3A_153 : vector<16xi32>
      %select_n3A_155 = arith.select %lt3A_151, %add3A_154, %shift_right_arithmetic3A_136 : vector<16xi1>, vector<16xi32>
      %broadcast_in_dim3A_156 = vector.shape_cast %select_n3A_155 : vector<16xi32> to vector<16x1xi32>
      %gather3A_157 = vector.shape_cast %broadcast_in_dim3A_156 : vector<16x1xi32> to vector<16xi32>
      %gather3A_158 = tpu.dynamic_gather %get3A_144[%gather3A_157] in [0] : vector<16xf32>, vector<16xi32> -> vector<16xf32>
      %lt3A_159 = arith.constant 0 : i32
      %lt3A_160 = vector.broadcast %lt3A_159 : i32 to vector<16xi32>
      %lt3A_161 = arith.cmpi slt, %shift_right_arithmetic3A_136, %lt3A_160 : vector<16xi32>
      %add3A_162 = arith.constant 16 : i32
      %add3A_163 = vector.broadcast %add3A_162 : i32 to vector<16xi32>
      %add3A_164 = arith.addi %shift_right_arithmetic3A_136, %add3A_163 : vector<16xi32>
      %select_n3A_165 = arith.select %lt3A_161, %add3A_164, %shift_right_arithmetic3A_136 : vector<16xi1>, vector<16xi32>
      %broadcast_in_dim3A_166 = vector.shape_cast %select_n3A_165 : vector<16xi32> to vector<16x1xi32>
      %gather3A_167 = vector.shape_cast %broadcast_in_dim3A_166 : vector<16x1xi32> to vector<16xi32>
      %gather3A_168 = tpu.dynamic_gather %get3A_148[%gather3A_167] in [0] : vector<16xf32>, vector<16xi32> -> vector<16xf32>
      %jit3A_169 = arith.constant -1.000000e+00 : f32
      %broadcast_in_dim3A_170 = vector.broadcast %jit3A_169 : f32 to vector<16xf32>
      %select_n3A_171 = arith.select %eq3A_137, %broadcast_in_dim3A_170, %get3A_140 : vector<16xi1>, vector<16xf32>
      %swap3A = arith.index_cast %and3A_134 : i32 to index
      %swap3A_172 = arith.constant 0 : index
      %swap3A_173 = tpu.vector_load %arg4[%swap3A, %swap3A_172] {strides = array<i32>} : memref<128x48xf32, #tpu.memory_space<vmem>>, vector<1x16xf32>,
      %swap3A_174 = vector.shape_cast %swap3A_173 : vector<1x16xf32> to vector<16xf32>
      %swap3A_175 = vector.shape_cast %select_n3A_171 : vector<16xf32> to vector<1x16xf32>
      tpu.vector_store %arg4[%swap3A, %swap3A_172], %swap3A_175 {strides = array<i32>} : memref<128x48xf32, #tpu.memory_space<vmem>>, vector<1x16xf32>,
      %eq3A_176 = arith.constant 0 : i32
      %eq3A_177 = vector.broadcast %eq3A_176 : i32 to vector<16xi32>
      %eq3A_178 = arith.cmpi eq, %iota3A, %eq3A_177 : vector<16xi32>
      %convert_element_type3A = arith.sitofp %min3A_133 : vector<16xi32> to vector<16xf32>
      %select_n3A_179 = arith.select %eq3A_178, %convert_element_type3A, %broadcast_in_dim3A_7 : vector<16xi1>, vector<16xf32>
      %select_n3A_180 = arith.select %eq3A_178, %gather3A_158, %broadcast_in_dim3A_9 : vector<16xi1>, vector<16xf32>
      %select_n3A_181 = arith.select %eq3A_178, %gather3A_168, %broadcast_in_dim3A_11 : vector<16xi1>, vector<16xf32>
      %broadcast_in_dim3A_182 = arith.constant -2.000000e+00 : f32
      %broadcast_in_dim3A_183 = vector.broadcast %broadcast_in_dim3A_182 : f32 to vector<16xf32>
      %broadcast_in_dim3A_184 = arith.constant 0 : i32
      %broadcast_in_dim3A_185 = vector.broadcast %broadcast_in_dim3A_184 : i32 to vector<16xi32>
      %scan3A_186 = arith.constant 0 : i32
      %scan3A_187 = arith.constant 128 : i32
      %scan3A_188 = arith.addi %scan3A_186, %scan3A_187 : i32
      %scan3A_189 = arith.constant 1 : i32
      %scan3A_190:2 = scf.for %scan3A_943 = %scan3A_186 to %scan3A_188 step %scan3A_189 iter_args(%scan3A_944 = %broadcast_in_dim3A_183, %scan3A_945 = %broadcast_in_dim3A_185) -> (vector<16xf32>, vector<16xi32>)  : i32 {
        %get3A_946 = arith.index_cast %scan3A_943 : i32 to index
        %get3A_947 = arith.constant 0 : index
        %get3A_948 = tpu.vector_load %arg4[%get3A_946, %get3A_947] {strides = array<i32>} : memref<128x48xf32, #tpu.memory_space<vmem>>, vector<1x16xf32>,
        %get3A_949 = vector.shape_cast %get3A_948 : vector<1x16xf32> to vector<16xf32>
        %gt3A = arith.cmpf ogt, %get3A_949, %scan3A_944 : vector<16xf32>
        %select_n3A_950 = arith.select %gt3A, %get3A_949, %scan3A_944 : vector<16xi1>, vector<16xf32>
        %broadcast_in_dim3A_951 = vector.broadcast %scan3A_943 : i32 to vector<16xi32>
        %select_n3A_952 = arith.select %gt3A, %broadcast_in_dim3A_951, %scan3A_945 : vector<16xi1>, vector<16xi32>
        scf.yield %select_n3A_950, %select_n3A_952 : vector<16xf32>, vector<16xi32>
      }
      %scan3A_191 = arith.constant 128 : i32
      %xor3A_192 = arith.constant 8 : i32
      %xor3A_193 = vector.broadcast %xor3A_192 : i32 to vector<16xi32>
      %xor3A_194 = arith.xori %iota3A, %xor3A_193 : vector<16xi32>
      %lt3A_195 = arith.constant 0 : i32
      %lt3A_196 = vector.broadcast %lt3A_195 : i32 to vector<16xi32>
      %lt3A_197 = arith.cmpi slt, %xor3A_194, %lt3A_196 : vector<16xi32>
      %add3A_198 = arith.constant 16 : i32
      %add3A_199 = vector.broadcast %add3A_198 : i32 to vector<16xi32>
      %add3A_200 = arith.addi %xor3A_194, %add3A_199 : vector<16xi32>
      %select_n3A_201 = arith.select %lt3A_197, %add3A_200, %xor3A_194 : vector<16xi1>, vector<16xi32>
      %broadcast_in_dim3A_202 = vector.shape_cast %select_n3A_201 : vector<16xi32> to vector<16x1xi32>
      %gather3A_203 = vector.shape_cast %broadcast_in_dim3A_202 : vector<16x1xi32> to vector<16xi32>
      %gather3A_204 = tpu.dynamic_gather %scan3A_190#0[%gather3A_203] in [0] : vector<16xf32>, vector<16xi32> -> vector<16xf32>
      %max3A_205 = arith.maximumf %scan3A_190#0, %gather3A_204 : vector<16xf32>
      %xor3A_206 = arith.constant 4 : i32
      %xor3A_207 = vector.broadcast %xor3A_206 : i32 to vector<16xi32>
      %xor3A_208 = arith.xori %iota3A, %xor3A_207 : vector<16xi32>
      %lt3A_209 = arith.constant 0 : i32
      %lt3A_210 = vector.broadcast %lt3A_209 : i32 to vector<16xi32>
      %lt3A_211 = arith.cmpi slt, %xor3A_208, %lt3A_210 : vector<16xi32>
      %add3A_212 = arith.constant 16 : i32
      %add3A_213 = vector.broadcast %add3A_212 : i32 to vector<16xi32>
      %add3A_214 = arith.addi %xor3A_208, %add3A_213 : vector<16xi32>
      %select_n3A_215 = arith.select %lt3A_211, %add3A_214, %xor3A_208 : vector<16xi1>, vector<16xi32>
      %broadcast_in_dim3A_216 = vector.shape_cast %select_n3A_215 : vector<16xi32> to vector<16x1xi32>
      %gather3A_217 = vector.shape_cast %broadcast_in_dim3A_216 : vector<16x1xi32> to vector<16xi32>
      %gather3A_218 = tpu.dynamic_gather %max3A_205[%gather3A_217] in [0] : vector<16xf32>, vector<16xi32> -> vector<16xf32>
      %max3A_219 = arith.maximumf %max3A_205, %gather3A_218 : vector<16xf32>
      %xor3A_220 = arith.constant 2 : i32
      %xor3A_221 = vector.broadcast %xor3A_220 : i32 to vector<16xi32>
      %xor3A_222 = arith.xori %iota3A, %xor3A_221 : vector<16xi32>
      %lt3A_223 = arith.constant 0 : i32
      %lt3A_224 = vector.broadcast %lt3A_223 : i32 to vector<16xi32>
      %lt3A_225 = arith.cmpi slt, %xor3A_222, %lt3A_224 : vector<16xi32>
      %add3A_226 = arith.constant 16 : i32
      %add3A_227 = vector.broadcast %add3A_226 : i32 to vector<16xi32>
      %add3A_228 = arith.addi %xor3A_222, %add3A_227 : vector<16xi32>
      %select_n3A_229 = arith.select %lt3A_225, %add3A_228, %xor3A_222 : vector<16xi1>, vector<16xi32>
      %broadcast_in_dim3A_230 = vector.shape_cast %select_n3A_229 : vector<16xi32> to vector<16x1xi32>
      %gather3A_231 = vector.shape_cast %broadcast_in_dim3A_230 : vector<16x1xi32> to vector<16xi32>
      %gather3A_232 = tpu.dynamic_gather %max3A_219[%gather3A_231] in [0] : vector<16xf32>, vector<16xi32> -> vector<16xf32>
      %max3A_233 = arith.maximumf %max3A_219, %gather3A_232 : vector<16xf32>
      %xor3A_234 = arith.constant 1 : i32
      %xor3A_235 = vector.broadcast %xor3A_234 : i32 to vector<16xi32>
      %xor3A_236 = arith.xori %iota3A, %xor3A_235 : vector<16xi32>
      %lt3A_237 = arith.constant 0 : i32
      %lt3A_238 = vector.broadcast %lt3A_237 : i32 to vector<16xi32>
      %lt3A_239 = arith.cmpi slt, %xor3A_236, %lt3A_238 : vector<16xi32>
      %add3A_240 = arith.constant 16 : i32
      %add3A_241 = vector.broadcast %add3A_240 : i32 to vector<16xi32>
      %add3A_242 = arith.addi %xor3A_236, %add3A_241 : vector<16xi32>
      %select_n3A_243 = arith.select %lt3A_239, %add3A_242, %xor3A_236 : vector<16xi1>, vector<16xi32>
      %broadcast_in_dim3A_244 = vector.shape_cast %select_n3A_243 : vector<16xi32> to vector<16x1xi32>
      %gather3A_245 = vector.shape_cast %broadcast_in_dim3A_244 : vector<16x1xi32> to vector<16xi32>
      %gather3A_246 = tpu.dynamic_gather %max3A_233[%gather3A_245] in [0] : vector<16xf32>, vector<16xi32> -> vector<16xf32>
      %max3A_247 = arith.maximumf %max3A_233, %gather3A_246 : vector<16xf32>
      %eq3A_248 = arith.cmpf oeq, %scan3A_190#0, %max3A_247 : vector<16xf32>
      %mul3A_249 = arith.constant 128 : i32
      %mul3A_250 = vector.broadcast %mul3A_249 : i32 to vector<16xi32>
      %mul3A_251 = arith.muli %mul3A_250, %iota3A : vector<16xi32>
      %add3A_252 = arith.addi %mul3A_251, %scan3A_190#1 : vector<16xi32>
      %jit3A_253 = arith.constant 4096 : i32
      %broadcast_in_dim3A_254 = vector.broadcast %jit3A_253 : i32 to vector<16xi32>
      %select_n3A_255 = arith.select %eq3A_248, %add3A_252, %broadcast_in_dim3A_254 : vector<16xi1>, vector<16xi32>
      %xor3A_256 = arith.constant 8 : i32
      %xor3A_257 = vector.broadcast %xor3A_256 : i32 to vector<16xi32>
      %xor3A_258 = arith.xori %iota3A, %xor3A_257 : vector<16xi32>
      %lt3A_259 = arith.constant 0 : i32
      %lt3A_260 = vector.broadcast %lt3A_259 : i32 to vector<16xi32>
      %lt3A_261 = arith.cmpi slt, %xor3A_258, %lt3A_260 : vector<16xi32>
      %add3A_262 = arith.constant 16 : i32
      %add3A_263 = vector.broadcast %add3A_262 : i32 to vector<16xi32>
      %add3A_264 = arith.addi %xor3A_258, %add3A_263 : vector<16xi32>
      %select_n3A_265 = arith.select %lt3A_261, %add3A_264, %xor3A_258 : vector<16xi1>, vector<16xi32>
      %broadcast_in_dim3A_266 = vector.shape_cast %select_n3A_265 : vector<16xi32> to vector<16x1xi32>
      %gather3A_267 = vector.shape_cast %broadcast_in_dim3A_266 : vector<16x1xi32> to vector<16xi32>
      %gather3A_268 = tpu.dynamic_gather %select_n3A_255[%gather3A_267] in [0] : vector<16xi32>, vector<16xi32> -> vector<16xi32>
      %min3A_269 = arith.minsi %select_n3A_255, %gather3A_268 : vector<16xi32>
      %xor3A_270 = arith.constant 4 : i32
      %xor3A_271 = vector.broadcast %xor3A_270 : i32 to vector<16xi32>
      %xor3A_272 = arith.xori %iota3A, %xor3A_271 : vector<16xi32>
      %lt3A_273 = arith.constant 0 : i32
      %lt3A_274 = vector.broadcast %lt3A_273 : i32 to vector<16xi32>
      %lt3A_275 = arith.cmpi slt, %xor3A_272, %lt3A_274 : vector<16xi32>
      %add3A_276 = arith.constant 16 : i32
      %add3A_277 = vector.broadcast %add3A_276 : i32 to vector<16xi32>
      %add3A_278 = arith.addi %xor3A_272, %add3A_277 : vector<16xi32>
      %select_n3A_279 = arith.select %lt3A_275, %add3A_278, %xor3A_272 : vector<16xi1>, vector<16xi32>
      %broadcast_in_dim3A_280 = vector.shape_cast %select_n3A_279 : vector<16xi32> to vector<16x1xi32>
      %gather3A_281 = vector.shape_cast %broadcast_in_dim3A_280 : vector<16x1xi32> to vector<16xi32>
      %gather3A_282 = tpu.dynamic_gather %min3A_269[%gather3A_281] in [0] : vector<16xi32>, vector<16xi32> -> vector<16xi32>
      %min3A_283 = arith.minsi %min3A_269, %gather3A_282 : vector<16xi32>
      %xor3A_284 = arith.constant 2 : i32
      %xor3A_285 = vector.broadcast %xor3A_284 : i32 to vector<16xi32>
      %xor3A_286 = arith.xori %iota3A, %xor3A_285 : vector<16xi32>
      %lt3A_287 = arith.constant 0 : i32
      %lt3A_288 = vector.broadcast %lt3A_287 : i32 to vector<16xi32>
      %lt3A_289 = arith.cmpi slt, %xor3A_286, %lt3A_288 : vector<16xi32>
      %add3A_290 = arith.constant 16 : i32
      %add3A_291 = vector.broadcast %add3A_290 : i32 to vector<16xi32>
      %add3A_292 = arith.addi %xor3A_286, %add3A_291 : vector<16xi32>
      %select_n3A_293 = arith.select %lt3A_289, %add3A_292, %xor3A_286 : vector<16xi1>, vector<16xi32>
      %broadcast_in_dim3A_294 = vector.shape_cast %select_n3A_293 : vector<16xi32> to vector<16x1xi32>
      %gather3A_295 = vector.shape_cast %broadcast_in_dim3A_294 : vector<16x1xi32> to vector<16xi32>
      %gather3A_296 = tpu.dynamic_gather %min3A_283[%gather3A_295] in [0] : vector<16xi32>, vector<16xi32> -> vector<16xi32>
      %min3A_297 = arith.minsi %min3A_283, %gather3A_296 : vector<16xi32>
      %xor3A_298 = arith.constant 1 : i32
      %xor3A_299 = vector.broadcast %xor3A_298 : i32 to vector<16xi32>
      %xor3A_300 = arith.xori %iota3A, %xor3A_299 : vector<16xi32>
      %lt3A_301 = arith.constant 0 : i32
      %lt3A_302 = vector.broadcast %lt3A_301 : i32 to vector<16xi32>
      %lt3A_303 = arith.cmpi slt, %xor3A_300, %lt3A_302 : vector<16xi32>
      %add3A_304 = arith.constant 16 : i32
      %add3A_305 = vector.broadcast %add3A_304 : i32 to vector<16xi32>
      %add3A_306 = arith.addi %xor3A_300, %add3A_305 : vector<16xi32>
      %select_n3A_307 = arith.select %lt3A_303, %add3A_306, %xor3A_300 : vector<16xi1>, vector<16xi32>
      %broadcast_in_dim3A_308 = vector.shape_cast %select_n3A_307 : vector<16xi32> to vector<16x1xi32>
      %gather3A_309 = vector.shape_cast %broadcast_in_dim3A_308 : vector<16x1xi32> to vector<16xi32>
      %gather3A_310 = tpu.dynamic_gather %min3A_297[%gather3A_309] in [0] : vector<16xi32>, vector<16xi32> -> vector<16xi32>
      %min3A_311 = arith.minsi %min3A_297, %gather3A_310 : vector<16xi32>
      %slice3A_312 = vector.extract_strided_slice %min3A_311 {offsets = [0], sizes = [1], strides = [1]} : vector<16xi32> to vector<1xi32>
      %squeeze3A_313 = vector.extract %slice3A_312[0] : i32 from vector<1xi32>
      %and3A_314 = arith.constant 127 : i32
      %and3A_315 = arith.andi %squeeze3A_313, %and3A_314 : i32
      %shift_right_arithmetic3A_316 = arith.constant 7 : i32
      %shift_right_arithmetic3A_317 = vector.broadcast %shift_right_arithmetic3A_316 : i32 to vector<16xi32>
      %shift_right_arithmetic3A_318 = arith.shrsi %min3A_311, %shift_right_arithmetic3A_317 : vector<16xi32>
      %eq3A_319 = arith.cmpi eq, %iota3A, %shift_right_arithmetic3A_318 : vector<16xi32>
      %get3A_320 = arith.index_cast %and3A_315 : i32 to index
      %get3A_321 = arith.constant 0 : index
      %get3A_322 = tpu.vector_load %arg4[%get3A_320, %get3A_321] {strides = array<i32>} : memref<128x48xf32, #tpu.memory_space<vmem>>, vector<1x16xf32>,
      %get3A_323 = vector.shape_cast %get3A_322 : vector<1x16xf32> to vector<16xf32>
      %get3A_324 = arith.index_cast %and3A_315 : i32 to index
      %get3A_325 = arith.constant 16 : index
      %get3A_326 = tpu.vector_load %arg4[%get3A_324, %get3A_325] {strides = array<i32>} : memref<128x48xf32, #tpu.memory_space<vmem>>, vector<1x16xf32>,
      %get3A_327 = vector.shape_cast %get3A_326 : vector<1x16xf32> to vector<16xf32>
      %get3A_328 = arith.index_cast %and3A_315 : i32 to index
      %get3A_329 = arith.constant 32 : index
      %get3A_330 = tpu.vector_load %arg4[%get3A_328, %get3A_329] {strides = array<i32>} : memref<128x48xf32, #tpu.memory_space<vmem>>, vector<1x16xf32>,
      %get3A_331 = vector.shape_cast %get3A_330 : vector<1x16xf32> to vector<16xf32>
      %lt3A_332 = arith.constant 0 : i32
      %lt3A_333 = vector.broadcast %lt3A_332 : i32 to vector<16xi32>
      %lt3A_334 = arith.cmpi slt, %shift_right_arithmetic3A_318, %lt3A_333 : vector<16xi32>
      %add3A_335 = arith.constant 16 : i32
      %add3A_336 = vector.broadcast %add3A_335 : i32 to vector<16xi32>
      %add3A_337 = arith.addi %shift_right_arithmetic3A_318, %add3A_336 : vector<16xi32>
      %select_n3A_338 = arith.select %lt3A_334, %add3A_337, %shift_right_arithmetic3A_318 : vector<16xi1>, vector<16xi32>
      %broadcast_in_dim3A_339 = vector.shape_cast %select_n3A_338 : vector<16xi32> to vector<16x1xi32>
      %gather3A_340 = vector.shape_cast %broadcast_in_dim3A_339 : vector<16x1xi32> to vector<16xi32>
      %gather3A_341 = tpu.dynamic_gather %get3A_327[%gather3A_340] in [0] : vector<16xf32>, vector<16xi32> -> vector<16xf32>
      %lt3A_342 = arith.constant 0 : i32
      %lt3A_343 = vector.broadcast %lt3A_342 : i32 to vector<16xi32>
      %lt3A_344 = arith.cmpi slt, %shift_right_arithmetic3A_318, %lt3A_343 : vector<16xi32>
      %add3A_345 = arith.constant 16 : i32
      %add3A_346 = vector.broadcast %add3A_345 : i32 to vector<16xi32>
      %add3A_347 = arith.addi %shift_right_arithmetic3A_318, %add3A_346 : vector<16xi32>
      %select_n3A_348 = arith.select %lt3A_344, %add3A_347, %shift_right_arithmetic3A_318 : vector<16xi1>, vector<16xi32>
      %broadcast_in_dim3A_349 = vector.shape_cast %select_n3A_348 : vector<16xi32> to vector<16x1xi32>
      %gather3A_350 = vector.shape_cast %broadcast_in_dim3A_349 : vector<16x1xi32> to vector<16xi32>
      %gather3A_351 = tpu.dynamic_gather %get3A_331[%gather3A_350] in [0] : vector<16xf32>, vector<16xi32> -> vector<16xf32>
      %jit3A_352 = arith.constant -1.000000e+00 : f32
      %broadcast_in_dim3A_353 = vector.broadcast %jit3A_352 : f32 to vector<16xf32>
      %select_n3A_354 = arith.select %eq3A_319, %broadcast_in_dim3A_353, %get3A_323 : vector<16xi1>, vector<16xf32>
      %swap3A_355 = arith.index_cast %and3A_315 : i32 to index
      %swap3A_356 = arith.constant 0 : index
      %swap3A_357 = tpu.vector_load %arg4[%swap3A_355, %swap3A_356] {strides = array<i32>} : memref<128x48xf32, #tpu.memory_space<vmem>>, vector<1x16xf32>,
      %swap3A_358 = vector.shape_cast %swap3A_357 : vector<1x16xf32> to vector<16xf32>
      %swap3A_359 = vector.shape_cast %select_n3A_354 : vector<16xf32> to vector<1x16xf32>
      tpu.vector_store %arg4[%swap3A_355, %swap3A_356], %swap3A_359 {strides = array<i32>} : memref<128x48xf32, #tpu.memory_space<vmem>>, vector<1x16xf32>,
      %eq3A_360 = arith.constant 1 : i32
      %eq3A_361 = vector.broadcast %eq3A_360 : i32 to vector<16xi32>
      %eq3A_362 = arith.cmpi eq, %iota3A, %eq3A_361 : vector<16xi32>
      %convert_element_type3A_363 = arith.sitofp %min3A_311 : vector<16xi32> to vector<16xf32>
      %select_n3A_364 = arith.select %eq3A_362, %convert_element_type3A_363, %select_n3A_179 : vector<16xi1>, vector<16xf32>
      %select_n3A_365 = arith.select %eq3A_362, %gather3A_341, %select_n3A_180 : vector<16xi1>, vector<16xf32>
      %select_n3A_366 = arith.select %eq3A_362, %gather3A_351, %select_n3A_181 : vector<16xi1>, vector<16xf32>
      %broadcast_in_dim3A_367 = arith.constant -2.000000e+00 : f32
      %broadcast_in_dim3A_368 = vector.broadcast %broadcast_in_dim3A_367 : f32 to vector<16xf32>
      %broadcast_in_dim3A_369 = arith.constant 0 : i32
      %broadcast_in_dim3A_370 = vector.broadcast %broadcast_in_dim3A_369 : i32 to vector<16xi32>
      %scan3A_371 = arith.constant 0 : i32
      %scan3A_372 = arith.constant 128 : i32
      %scan3A_373 = arith.addi %scan3A_371, %scan3A_372 : i32
      %scan3A_374 = arith.constant 1 : i32
      %scan3A_375:2 = scf.for %scan3A_943 = %scan3A_371 to %scan3A_373 step %scan3A_374 iter_args(%scan3A_944 = %broadcast_in_dim3A_368, %scan3A_945 = %broadcast_in_dim3A_370) -> (vector<16xf32>, vector<16xi32>)  : i32 {
        %get3A_946 = arith.index_cast %scan3A_943 : i32 to index
        %get3A_947 = arith.constant 0 : index
        %get3A_948 = tpu.vector_load %arg4[%get3A_946, %get3A_947] {strides = array<i32>} : memref<128x48xf32, #tpu.memory_space<vmem>>, vector<1x16xf32>,
        %get3A_949 = vector.shape_cast %get3A_948 : vector<1x16xf32> to vector<16xf32>
        %gt3A = arith.cmpf ogt, %get3A_949, %scan3A_944 : vector<16xf32>
        %select_n3A_950 = arith.select %gt3A, %get3A_949, %scan3A_944 : vector<16xi1>, vector<16xf32>
        %broadcast_in_dim3A_951 = vector.broadcast %scan3A_943 : i32 to vector<16xi32>
        %select_n3A_952 = arith.select %gt3A, %broadcast_in_dim3A_951, %scan3A_945 : vector<16xi1>, vector<16xi32>
        scf.yield %select_n3A_950, %select_n3A_952 : vector<16xf32>, vector<16xi32>
      }
      %scan3A_376 = arith.constant 128 : i32
      %xor3A_377 = arith.constant 8 : i32
      %xor3A_378 = vector.broadcast %xor3A_377 : i32 to vector<16xi32>
      %xor3A_379 = arith.xori %iota3A, %xor3A_378 : vector<16xi32>
      %lt3A_380 = arith.constant 0 : i32
      %lt3A_381 = vector.broadcast %lt3A_380 : i32 to vector<16xi32>
      %lt3A_382 = arith.cmpi slt, %xor3A_379, %lt3A_381 : vector<16xi32>
      %add3A_383 = arith.constant 16 : i32
      %add3A_384 = vector.broadcast %add3A_383 : i32 to vector<16xi32>
      %add3A_385 = arith.addi %xor3A_379, %add3A_384 : vector<16xi32>
      %select_n3A_386 = arith.select %lt3A_382, %add3A_385, %xor3A_379 : vector<16xi1>, vector<16xi32>
      %broadcast_in_dim3A_387 = vector.shape_cast %select_n3A_386 : vector<16xi32> to vector<16x1xi32>
      %gather3A_388 = vector.shape_cast %broadcast_in_dim3A_387 : vector<16x1xi32> to vector<16xi32>
      %gather3A_389 = tpu.dynamic_gather %scan3A_375#0[%gather3A_388] in [0] : vector<16xf32>, vector<16xi32> -> vector<16xf32>
      %max3A_390 = arith.maximumf %scan3A_375#0, %gather3A_389 : vector<16xf32>
      %xor3A_391 = arith.constant 4 : i32
      %xor3A_392 = vector.broadcast %xor3A_391 : i32 to vector<16xi32>
      %xor3A_393 = arith.xori %iota3A, %xor3A_392 : vector<16xi32>
      %lt3A_394 = arith.constant 0 : i32
      %lt3A_395 = vector.broadcast %lt3A_394 : i32 to vector<16xi32>
      %lt3A_396 = arith.cmpi slt, %xor3A_393, %lt3A_395 : vector<16xi32>
      %add3A_397 = arith.constant 16 : i32
      %add3A_398 = vector.broadcast %add3A_397 : i32 to vector<16xi32>
      %add3A_399 = arith.addi %xor3A_393, %add3A_398 : vector<16xi32>
      %select_n3A_400 = arith.select %lt3A_396, %add3A_399, %xor3A_393 : vector<16xi1>, vector<16xi32>
      %broadcast_in_dim3A_401 = vector.shape_cast %select_n3A_400 : vector<16xi32> to vector<16x1xi32>
      %gather3A_402 = vector.shape_cast %broadcast_in_dim3A_401 : vector<16x1xi32> to vector<16xi32>
      %gather3A_403 = tpu.dynamic_gather %max3A_390[%gather3A_402] in [0] : vector<16xf32>, vector<16xi32> -> vector<16xf32>
      %max3A_404 = arith.maximumf %max3A_390, %gather3A_403 : vector<16xf32>
      %xor3A_405 = arith.constant 2 : i32
      %xor3A_406 = vector.broadcast %xor3A_405 : i32 to vector<16xi32>
      %xor3A_407 = arith.xori %iota3A, %xor3A_406 : vector<16xi32>
      %lt3A_408 = arith.constant 0 : i32
      %lt3A_409 = vector.broadcast %lt3A_408 : i32 to vector<16xi32>
      %lt3A_410 = arith.cmpi slt, %xor3A_407, %lt3A_409 : vector<16xi32>
      %add3A_411 = arith.constant 16 : i32
      %add3A_412 = vector.broadcast %add3A_411 : i32 to vector<16xi32>
      %add3A_413 = arith.addi %xor3A_407, %add3A_412 : vector<16xi32>
      %select_n3A_414 = arith.select %lt3A_410, %add3A_413, %xor3A_407 : vector<16xi1>, vector<16xi32>
      %broadcast_in_dim3A_415 = vector.shape_cast %select_n3A_414 : vector<16xi32> to vector<16x1xi32>
      %gather3A_416 = vector.shape_cast %broadcast_in_dim3A_415 : vector<16x1xi32> to vector<16xi32>
      %gather3A_417 = tpu.dynamic_gather %max3A_404[%gather3A_416] in [0] : vector<16xf32>, vector<16xi32> -> vector<16xf32>
      %max3A_418 = arith.maximumf %max3A_404, %gather3A_417 : vector<16xf32>
      %xor3A_419 = arith.constant 1 : i32
      %xor3A_420 = vector.broadcast %xor3A_419 : i32 to vector<16xi32>
      %xor3A_421 = arith.xori %iota3A, %xor3A_420 : vector<16xi32>
      %lt3A_422 = arith.constant 0 : i32
      %lt3A_423 = vector.broadcast %lt3A_422 : i32 to vector<16xi32>
      %lt3A_424 = arith.cmpi slt, %xor3A_421, %lt3A_423 : vector<16xi32>
      %add3A_425 = arith.constant 16 : i32
      %add3A_426 = vector.broadcast %add3A_425 : i32 to vector<16xi32>
      %add3A_427 = arith.addi %xor3A_421, %add3A_426 : vector<16xi32>
      %select_n3A_428 = arith.select %lt3A_424, %add3A_427, %xor3A_421 : vector<16xi1>, vector<16xi32>
      %broadcast_in_dim3A_429 = vector.shape_cast %select_n3A_428 : vector<16xi32> to vector<16x1xi32>
      %gather3A_430 = vector.shape_cast %broadcast_in_dim3A_429 : vector<16x1xi32> to vector<16xi32>
      %gather3A_431 = tpu.dynamic_gather %max3A_418[%gather3A_430] in [0] : vector<16xf32>, vector<16xi32> -> vector<16xf32>
      %max3A_432 = arith.maximumf %max3A_418, %gather3A_431 : vector<16xf32>
      %eq3A_433 = arith.cmpf oeq, %scan3A_375#0, %max3A_432 : vector<16xf32>
      %mul3A_434 = arith.constant 128 : i32
      %mul3A_435 = vector.broadcast %mul3A_434 : i32 to vector<16xi32>
      %mul3A_436 = arith.muli %mul3A_435, %iota3A : vector<16xi32>
      %add3A_437 = arith.addi %mul3A_436, %scan3A_375#1 : vector<16xi32>
      %jit3A_438 = arith.constant 4096 : i32
      %broadcast_in_dim3A_439 = vector.broadcast %jit3A_438 : i32 to vector<16xi32>
      %select_n3A_440 = arith.select %eq3A_433, %add3A_437, %broadcast_in_dim3A_439 : vector<16xi1>, vector<16xi32>
      %xor3A_441 = arith.constant 8 : i32
      %xor3A_442 = vector.broadcast %xor3A_441 : i32 to vector<16xi32>
      %xor3A_443 = arith.xori %iota3A, %xor3A_442 : vector<16xi32>
      %lt3A_444 = arith.constant 0 : i32
      %lt3A_445 = vector.broadcast %lt3A_444 : i32 to vector<16xi32>
      %lt3A_446 = arith.cmpi slt, %xor3A_443, %lt3A_445 : vector<16xi32>
      %add3A_447 = arith.constant 16 : i32
      %add3A_448 = vector.broadcast %add3A_447 : i32 to vector<16xi32>
      %add3A_449 = arith.addi %xor3A_443, %add3A_448 : vector<16xi32>
      %select_n3A_450 = arith.select %lt3A_446, %add3A_449, %xor3A_443 : vector<16xi1>, vector<16xi32>
      %broadcast_in_dim3A_451 = vector.shape_cast %select_n3A_450 : vector<16xi32> to vector<16x1xi32>
      %gather3A_452 = vector.shape_cast %broadcast_in_dim3A_451 : vector<16x1xi32> to vector<16xi32>
      %gather3A_453 = tpu.dynamic_gather %select_n3A_440[%gather3A_452] in [0] : vector<16xi32>, vector<16xi32> -> vector<16xi32>
      %min3A_454 = arith.minsi %select_n3A_440, %gather3A_453 : vector<16xi32>
      %xor3A_455 = arith.constant 4 : i32
      %xor3A_456 = vector.broadcast %xor3A_455 : i32 to vector<16xi32>
      %xor3A_457 = arith.xori %iota3A, %xor3A_456 : vector<16xi32>
      %lt3A_458 = arith.constant 0 : i32
      %lt3A_459 = vector.broadcast %lt3A_458 : i32 to vector<16xi32>
      %lt3A_460 = arith.cmpi slt, %xor3A_457, %lt3A_459 : vector<16xi32>
      %add3A_461 = arith.constant 16 : i32
      %add3A_462 = vector.broadcast %add3A_461 : i32 to vector<16xi32>
      %add3A_463 = arith.addi %xor3A_457, %add3A_462 : vector<16xi32>
      %select_n3A_464 = arith.select %lt3A_460, %add3A_463, %xor3A_457 : vector<16xi1>, vector<16xi32>
      %broadcast_in_dim3A_465 = vector.shape_cast %select_n3A_464 : vector<16xi32> to vector<16x1xi32>
      %gather3A_466 = vector.shape_cast %broadcast_in_dim3A_465 : vector<16x1xi32> to vector<16xi32>
      %gather3A_467 = tpu.dynamic_gather %min3A_454[%gather3A_466] in [0] : vector<16xi32>, vector<16xi32> -> vector<16xi32>
      %min3A_468 = arith.minsi %min3A_454, %gather3A_467 : vector<16xi32>
      %xor3A_469 = arith.constant 2 : i32
      %xor3A_470 = vector.broadcast %xor3A_469 : i32 to vector<16xi32>
      %xor3A_471 = arith.xori %iota3A, %xor3A_470 : vector<16xi32>
      %lt3A_472 = arith.constant 0 : i32
      %lt3A_473 = vector.broadcast %lt3A_472 : i32 to vector<16xi32>
      %lt3A_474 = arith.cmpi slt, %xor3A_471, %lt3A_473 : vector<16xi32>
      %add3A_475 = arith.constant 16 : i32
      %add3A_476 = vector.broadcast %add3A_475 : i32 to vector<16xi32>
      %add3A_477 = arith.addi %xor3A_471, %add3A_476 : vector<16xi32>
      %select_n3A_478 = arith.select %lt3A_474, %add3A_477, %xor3A_471 : vector<16xi1>, vector<16xi32>
      %broadcast_in_dim3A_479 = vector.shape_cast %select_n3A_478 : vector<16xi32> to vector<16x1xi32>
      %gather3A_480 = vector.shape_cast %broadcast_in_dim3A_479 : vector<16x1xi32> to vector<16xi32>
      %gather3A_481 = tpu.dynamic_gather %min3A_468[%gather3A_480] in [0] : vector<16xi32>, vector<16xi32> -> vector<16xi32>
      %min3A_482 = arith.minsi %min3A_468, %gather3A_481 : vector<16xi32>
      %xor3A_483 = arith.constant 1 : i32
      %xor3A_484 = vector.broadcast %xor3A_483 : i32 to vector<16xi32>
      %xor3A_485 = arith.xori %iota3A, %xor3A_484 : vector<16xi32>
      %lt3A_486 = arith.constant 0 : i32
      %lt3A_487 = vector.broadcast %lt3A_486 : i32 to vector<16xi32>
      %lt3A_488 = arith.cmpi slt, %xor3A_485, %lt3A_487 : vector<16xi32>
      %add3A_489 = arith.constant 16 : i32
      %add3A_490 = vector.broadcast %add3A_489 : i32 to vector<16xi32>
      %add3A_491 = arith.addi %xor3A_485, %add3A_490 : vector<16xi32>
      %select_n3A_492 = arith.select %lt3A_488, %add3A_491, %xor3A_485 : vector<16xi1>, vector<16xi32>
      %broadcast_in_dim3A_493 = vector.shape_cast %select_n3A_492 : vector<16xi32> to vector<16x1xi32>
      %gather3A_494 = vector.shape_cast %broadcast_in_dim3A_493 : vector<16x1xi32> to vector<16xi32>
      %gather3A_495 = tpu.dynamic_gather %min3A_482[%gather3A_494] in [0] : vector<16xi32>, vector<16xi32> -> vector<16xi32>
      %min3A_496 = arith.minsi %min3A_482, %gather3A_495 : vector<16xi32>
      %slice3A_497 = vector.extract_strided_slice %min3A_496 {offsets = [0], sizes = [1], strides = [1]} : vector<16xi32> to vector<1xi32>
      %squeeze3A_498 = vector.extract %slice3A_497[0] : i32 from vector<1xi32>
      %and3A_499 = arith.constant 127 : i32
      %and3A_500 = arith.andi %squeeze3A_498, %and3A_499 : i32
      %shift_right_arithmetic3A_501 = arith.constant 7 : i32
      %shift_right_arithmetic3A_502 = vector.broadcast %shift_right_arithmetic3A_501 : i32 to vector<16xi32>
      %shift_right_arithmetic3A_503 = arith.shrsi %min3A_496, %shift_right_arithmetic3A_502 : vector<16xi32>
      %eq3A_504 = arith.cmpi eq, %iota3A, %shift_right_arithmetic3A_503 : vector<16xi32>
      %get3A_505 = arith.index_cast %and3A_500 : i32 to index
      %get3A_506 = arith.constant 0 : index
      %get3A_507 = tpu.vector_load %arg4[%get3A_505, %get3A_506] {strides = array<i32>} : memref<128x48xf32, #tpu.memory_space<vmem>>, vector<1x16xf32>,
      %get3A_508 = vector.shape_cast %get3A_507 : vector<1x16xf32> to vector<16xf32>
      %get3A_509 = arith.index_cast %and3A_500 : i32 to index
      %get3A_510 = arith.constant 16 : index
      %get3A_511 = tpu.vector_load %arg4[%get3A_509, %get3A_510] {strides = array<i32>} : memref<128x48xf32, #tpu.memory_space<vmem>>, vector<1x16xf32>,
      %get3A_512 = vector.shape_cast %get3A_511 : vector<1x16xf32> to vector<16xf32>
      %get3A_513 = arith.index_cast %and3A_500 : i32 to index
      %get3A_514 = arith.constant 32 : index
      %get3A_515 = tpu.vector_load %arg4[%get3A_513, %get3A_514] {strides = array<i32>} : memref<128x48xf32, #tpu.memory_space<vmem>>, vector<1x16xf32>,
      %get3A_516 = vector.shape_cast %get3A_515 : vector<1x16xf32> to vector<16xf32>
      %lt3A_517 = arith.constant 0 : i32
      %lt3A_518 = vector.broadcast %lt3A_517 : i32 to vector<16xi32>
      %lt3A_519 = arith.cmpi slt, %shift_right_arithmetic3A_503, %lt3A_518 : vector<16xi32>
      %add3A_520 = arith.constant 16 : i32
      %add3A_521 = vector.broadcast %add3A_520 : i32 to vector<16xi32>
      %add3A_522 = arith.addi %shift_right_arithmetic3A_503, %add3A_521 : vector<16xi32>
      %select_n3A_523 = arith.select %lt3A_519, %add3A_522, %shift_right_arithmetic3A_503 : vector<16xi1>, vector<16xi32>
      %broadcast_in_dim3A_524 = vector.shape_cast %select_n3A_523 : vector<16xi32> to vector<16x1xi32>
      %gather3A_525 = vector.shape_cast %broadcast_in_dim3A_524 : vector<16x1xi32> to vector<16xi32>
      %gather3A_526 = tpu.dynamic_gather %get3A_512[%gather3A_525] in [0] : vector<16xf32>, vector<16xi32> -> vector<16xf32>
      %lt3A_527 = arith.constant 0 : i32
      %lt3A_528 = vector.broadcast %lt3A_527 : i32 to vector<16xi32>
      %lt3A_529 = arith.cmpi slt, %shift_right_arithmetic3A_503, %lt3A_528 : vector<16xi32>
      %add3A_530 = arith.constant 16 : i32
      %add3A_531 = vector.broadcast %add3A_530 : i32 to vector<16xi32>
      %add3A_532 = arith.addi %shift_right_arithmetic3A_503, %add3A_531 : vector<16xi32>
      %select_n3A_533 = arith.select %lt3A_529, %add3A_532, %shift_right_arithmetic3A_503 : vector<16xi1>, vector<16xi32>
      %broadcast_in_dim3A_534 = vector.shape_cast %select_n3A_533 : vector<16xi32> to vector<16x1xi32>
      %gather3A_535 = vector.shape_cast %broadcast_in_dim3A_534 : vector<16x1xi32> to vector<16xi32>
      %gather3A_536 = tpu.dynamic_gather %get3A_516[%gather3A_535] in [0] : vector<16xf32>, vector<16xi32> -> vector<16xf32>
      %jit3A_537 = arith.constant -1.000000e+00 : f32
      %broadcast_in_dim3A_538 = vector.broadcast %jit3A_537 : f32 to vector<16xf32>
      %select_n3A_539 = arith.select %eq3A_504, %broadcast_in_dim3A_538, %get3A_508 : vector<16xi1>, vector<16xf32>
      %swap3A_540 = arith.index_cast %and3A_500 : i32 to index
      %swap3A_541 = arith.constant 0 : index
      %swap3A_542 = tpu.vector_load %arg4[%swap3A_540, %swap3A_541] {strides = array<i32>} : memref<128x48xf32, #tpu.memory_space<vmem>>, vector<1x16xf32>,
      %swap3A_543 = vector.shape_cast %swap3A_542 : vector<1x16xf32> to vector<16xf32>
      %swap3A_544 = vector.shape_cast %select_n3A_539 : vector<16xf32> to vector<1x16xf32>
      tpu.vector_store %arg4[%swap3A_540, %swap3A_541], %swap3A_544 {strides = array<i32>} : memref<128x48xf32, #tpu.memory_space<vmem>>, vector<1x16xf32>,
      %eq3A_545 = arith.constant 2 : i32
      %eq3A_546 = vector.broadcast %eq3A_545 : i32 to vector<16xi32>
      %eq3A_547 = arith.cmpi eq, %iota3A, %eq3A_546 : vector<16xi32>
      %convert_element_type3A_548 = arith.sitofp %min3A_496 : vector<16xi32> to vector<16xf32>
      %select_n3A_549 = arith.select %eq3A_547, %convert_element_type3A_548, %select_n3A_364 : vector<16xi1>, vector<16xf32>
      %select_n3A_550 = arith.select %eq3A_547, %gather3A_526, %select_n3A_365 : vector<16xi1>, vector<16xf32>
      %select_n3A_551 = arith.select %eq3A_547, %gather3A_536, %select_n3A_366 : vector<16xi1>, vector<16xf32>
      %broadcast_in_dim3A_552 = arith.constant -2.000000e+00 : f32
      %broadcast_in_dim3A_553 = vector.broadcast %broadcast_in_dim3A_552 : f32 to vector<16xf32>
      %broadcast_in_dim3A_554 = arith.constant 0 : i32
      %broadcast_in_dim3A_555 = vector.broadcast %broadcast_in_dim3A_554 : i32 to vector<16xi32>
      %scan3A_556 = arith.constant 0 : i32
      %scan3A_557 = arith.constant 128 : i32
      %scan3A_558 = arith.addi %scan3A_556, %scan3A_557 : i32
      %scan3A_559 = arith.constant 1 : i32
      %scan3A_560:2 = scf.for %scan3A_943 = %scan3A_556 to %scan3A_558 step %scan3A_559 iter_args(%scan3A_944 = %broadcast_in_dim3A_553, %scan3A_945 = %broadcast_in_dim3A_555) -> (vector<16xf32>, vector<16xi32>)  : i32 {
        %get3A_946 = arith.index_cast %scan3A_943 : i32 to index
        %get3A_947 = arith.constant 0 : index
        %get3A_948 = tpu.vector_load %arg4[%get3A_946, %get3A_947] {strides = array<i32>} : memref<128x48xf32, #tpu.memory_space<vmem>>, vector<1x16xf32>,
        %get3A_949 = vector.shape_cast %get3A_948 : vector<1x16xf32> to vector<16xf32>
        %gt3A = arith.cmpf ogt, %get3A_949, %scan3A_944 : vector<16xf32>
        %select_n3A_950 = arith.select %gt3A, %get3A_949, %scan3A_944 : vector<16xi1>, vector<16xf32>
        %broadcast_in_dim3A_951 = vector.broadcast %scan3A_943 : i32 to vector<16xi32>
        %select_n3A_952 = arith.select %gt3A, %broadcast_in_dim3A_951, %scan3A_945 : vector<16xi1>, vector<16xi32>
        scf.yield %select_n3A_950, %select_n3A_952 : vector<16xf32>, vector<16xi32>
      }
      %scan3A_561 = arith.constant 128 : i32
      %xor3A_562 = arith.constant 8 : i32
      %xor3A_563 = vector.broadcast %xor3A_562 : i32 to vector<16xi32>
      %xor3A_564 = arith.xori %iota3A, %xor3A_563 : vector<16xi32>
      %lt3A_565 = arith.constant 0 : i32
      %lt3A_566 = vector.broadcast %lt3A_565 : i32 to vector<16xi32>
      %lt3A_567 = arith.cmpi slt, %xor3A_564, %lt3A_566 : vector<16xi32>
      %add3A_568 = arith.constant 16 : i32
      %add3A_569 = vector.broadcast %add3A_568 : i32 to vector<16xi32>
      %add3A_570 = arith.addi %xor3A_564, %add3A_569 : vector<16xi32>
      %select_n3A_571 = arith.select %lt3A_567, %add3A_570, %xor3A_564 : vector<16xi1>, vector<16xi32>
      %broadcast_in_dim3A_572 = vector.shape_cast %select_n3A_571 : vector<16xi32> to vector<16x1xi32>
      %gather3A_573 = vector.shape_cast %broadcast_in_dim3A_572 : vector<16x1xi32> to vector<16xi32>
      %gather3A_574 = tpu.dynamic_gather %scan3A_560#0[%gather3A_573] in [0] : vector<16xf32>, vector<16xi32> -> vector<16xf32>
      %max3A_575 = arith.maximumf %scan3A_560#0, %gather3A_574 : vector<16xf32>
      %xor3A_576 = arith.constant 4 : i32
      %xor3A_577 = vector.broadcast %xor3A_576 : i32 to vector<16xi32>
      %xor3A_578 = arith.xori %iota3A, %xor3A_577 : vector<16xi32>
      %lt3A_579 = arith.constant 0 : i32
      %lt3A_580 = vector.broadcast %lt3A_579 : i32 to vector<16xi32>
      %lt3A_581 = arith.cmpi slt, %xor3A_578, %lt3A_580 : vector<16xi32>
      %add3A_582 = arith.constant 16 : i32
      %add3A_583 = vector.broadcast %add3A_582 : i32 to vector<16xi32>
      %add3A_584 = arith.addi %xor3A_578, %add3A_583 : vector<16xi32>
      %select_n3A_585 = arith.select %lt3A_581, %add3A_584, %xor3A_578 : vector<16xi1>, vector<16xi32>
      %broadcast_in_dim3A_586 = vector.shape_cast %select_n3A_585 : vector<16xi32> to vector<16x1xi32>
      %gather3A_587 = vector.shape_cast %broadcast_in_dim3A_586 : vector<16x1xi32> to vector<16xi32>
      %gather3A_588 = tpu.dynamic_gather %max3A_575[%gather3A_587] in [0] : vector<16xf32>, vector<16xi32> -> vector<16xf32>
      %max3A_589 = arith.maximumf %max3A_575, %gather3A_588 : vector<16xf32>
      %xor3A_590 = arith.constant 2 : i32
      %xor3A_591 = vector.broadcast %xor3A_590 : i32 to vector<16xi32>
      %xor3A_592 = arith.xori %iota3A, %xor3A_591 : vector<16xi32>
      %lt3A_593 = arith.constant 0 : i32
      %lt3A_594 = vector.broadcast %lt3A_593 : i32 to vector<16xi32>
      %lt3A_595 = arith.cmpi slt, %xor3A_592, %lt3A_594 : vector<16xi32>
      %add3A_596 = arith.constant 16 : i32
      %add3A_597 = vector.broadcast %add3A_596 : i32 to vector<16xi32>
      %add3A_598 = arith.addi %xor3A_592, %add3A_597 : vector<16xi32>
      %select_n3A_599 = arith.select %lt3A_595, %add3A_598, %xor3A_592 : vector<16xi1>, vector<16xi32>
      %broadcast_in_dim3A_600 = vector.shape_cast %select_n3A_599 : vector<16xi32> to vector<16x1xi32>
      %gather3A_601 = vector.shape_cast %broadcast_in_dim3A_600 : vector<16x1xi32> to vector<16xi32>
      %gather3A_602 = tpu.dynamic_gather %max3A_589[%gather3A_601] in [0] : vector<16xf32>, vector<16xi32> -> vector<16xf32>
      %max3A_603 = arith.maximumf %max3A_589, %gather3A_602 : vector<16xf32>
      %xor3A_604 = arith.constant 1 : i32
      %xor3A_605 = vector.broadcast %xor3A_604 : i32 to vector<16xi32>
      %xor3A_606 = arith.xori %iota3A, %xor3A_605 : vector<16xi32>
      %lt3A_607 = arith.constant 0 : i32
      %lt3A_608 = vector.broadcast %lt3A_607 : i32 to vector<16xi32>
      %lt3A_609 = arith.cmpi slt, %xor3A_606, %lt3A_608 : vector<16xi32>
      %add3A_610 = arith.constant 16 : i32
      %add3A_611 = vector.broadcast %add3A_610 : i32 to vector<16xi32>
      %add3A_612 = arith.addi %xor3A_606, %add3A_611 : vector<16xi32>
      %select_n3A_613 = arith.select %lt3A_609, %add3A_612, %xor3A_606 : vector<16xi1>, vector<16xi32>
      %broadcast_in_dim3A_614 = vector.shape_cast %select_n3A_613 : vector<16xi32> to vector<16x1xi32>
      %gather3A_615 = vector.shape_cast %broadcast_in_dim3A_614 : vector<16x1xi32> to vector<16xi32>
      %gather3A_616 = tpu.dynamic_gather %max3A_603[%gather3A_615] in [0] : vector<16xf32>, vector<16xi32> -> vector<16xf32>
      %max3A_617 = arith.maximumf %max3A_603, %gather3A_616 : vector<16xf32>
      %eq3A_618 = arith.cmpf oeq, %scan3A_560#0, %max3A_617 : vector<16xf32>
      %mul3A_619 = arith.constant 128 : i32
      %mul3A_620 = vector.broadcast %mul3A_619 : i32 to vector<16xi32>
      %mul3A_621 = arith.muli %mul3A_620, %iota3A : vector<16xi32>
      %add3A_622 = arith.addi %mul3A_621, %scan3A_560#1 : vector<16xi32>
      %jit3A_623 = arith.constant 4096 : i32
      %broadcast_in_dim3A_624 = vector.broadcast %jit3A_623 : i32 to vector<16xi32>
      %select_n3A_625 = arith.select %eq3A_618, %add3A_622, %broadcast_in_dim3A_624 : vector<16xi1>, vector<16xi32>
      %xor3A_626 = arith.constant 8 : i32
      %xor3A_627 = vector.broadcast %xor3A_626 : i32 to vector<16xi32>
      %xor3A_628 = arith.xori %iota3A, %xor3A_627 : vector<16xi32>
      %lt3A_629 = arith.constant 0 : i32
      %lt3A_630 = vector.broadcast %lt3A_629 : i32 to vector<16xi32>
      %lt3A_631 = arith.cmpi slt, %xor3A_628, %lt3A_630 : vector<16xi32>
      %add3A_632 = arith.constant 16 : i32
      %add3A_633 = vector.broadcast %add3A_632 : i32 to vector<16xi32>
      %add3A_634 = arith.addi %xor3A_628, %add3A_633 : vector<16xi32>
      %select_n3A_635 = arith.select %lt3A_631, %add3A_634, %xor3A_628 : vector<16xi1>, vector<16xi32>
      %broadcast_in_dim3A_636 = vector.shape_cast %select_n3A_635 : vector<16xi32> to vector<16x1xi32>
      %gather3A_637 = vector.shape_cast %broadcast_in_dim3A_636 : vector<16x1xi32> to vector<16xi32>
      %gather3A_638 = tpu.dynamic_gather %select_n3A_625[%gather3A_637] in [0] : vector<16xi32>, vector<16xi32> -> vector<16xi32>
      %min3A_639 = arith.minsi %select_n3A_625, %gather3A_638 : vector<16xi32>
      %xor3A_640 = arith.constant 4 : i32
      %xor3A_641 = vector.broadcast %xor3A_640 : i32 to vector<16xi32>
      %xor3A_642 = arith.xori %iota3A, %xor3A_641 : vector<16xi32>
      %lt3A_643 = arith.constant 0 : i32
      %lt3A_644 = vector.broadcast %lt3A_643 : i32 to vector<16xi32>
      %lt3A_645 = arith.cmpi slt, %xor3A_642, %lt3A_644 : vector<16xi32>
      %add3A_646 = arith.constant 16 : i32
      %add3A_647 = vector.broadcast %add3A_646 : i32 to vector<16xi32>
      %add3A_648 = arith.addi %xor3A_642, %add3A_647 : vector<16xi32>
      %select_n3A_649 = arith.select %lt3A_645, %add3A_648, %xor3A_642 : vector<16xi1>, vector<16xi32>
      %broadcast_in_dim3A_650 = vector.shape_cast %select_n3A_649 : vector<16xi32> to vector<16x1xi32>
      %gather3A_651 = vector.shape_cast %broadcast_in_dim3A_650 : vector<16x1xi32> to vector<16xi32>
      %gather3A_652 = tpu.dynamic_gather %min3A_639[%gather3A_651] in [0] : vector<16xi32>, vector<16xi32> -> vector<16xi32>
      %min3A_653 = arith.minsi %min3A_639, %gather3A_652 : vector<16xi32>
      %xor3A_654 = arith.constant 2 : i32
      %xor3A_655 = vector.broadcast %xor3A_654 : i32 to vector<16xi32>
      %xor3A_656 = arith.xori %iota3A, %xor3A_655 : vector<16xi32>
      %lt3A_657 = arith.constant 0 : i32
      %lt3A_658 = vector.broadcast %lt3A_657 : i32 to vector<16xi32>
      %lt3A_659 = arith.cmpi slt, %xor3A_656, %lt3A_658 : vector<16xi32>
      %add3A_660 = arith.constant 16 : i32
      %add3A_661 = vector.broadcast %add3A_660 : i32 to vector<16xi32>
      %add3A_662 = arith.addi %xor3A_656, %add3A_661 : vector<16xi32>
      %select_n3A_663 = arith.select %lt3A_659, %add3A_662, %xor3A_656 : vector<16xi1>, vector<16xi32>
      %broadcast_in_dim3A_664 = vector.shape_cast %select_n3A_663 : vector<16xi32> to vector<16x1xi32>
      %gather3A_665 = vector.shape_cast %broadcast_in_dim3A_664 : vector<16x1xi32> to vector<16xi32>
      %gather3A_666 = tpu.dynamic_gather %min3A_653[%gather3A_665] in [0] : vector<16xi32>, vector<16xi32> -> vector<16xi32>
      %min3A_667 = arith.minsi %min3A_653, %gather3A_666 : vector<16xi32>
      %xor3A_668 = arith.constant 1 : i32
      %xor3A_669 = vector.broadcast %xor3A_668 : i32 to vector<16xi32>
      %xor3A_670 = arith.xori %iota3A, %xor3A_669 : vector<16xi32>
      %lt3A_671 = arith.constant 0 : i32
      %lt3A_672 = vector.broadcast %lt3A_671 : i32 to vector<16xi32>
      %lt3A_673 = arith.cmpi slt, %xor3A_670, %lt3A_672 : vector<16xi32>
      %add3A_674 = arith.constant 16 : i32
      %add3A_675 = vector.broadcast %add3A_674 : i32 to vector<16xi32>
      %add3A_676 = arith.addi %xor3A_670, %add3A_675 : vector<16xi32>
      %select_n3A_677 = arith.select %lt3A_673, %add3A_676, %xor3A_670 : vector<16xi1>, vector<16xi32>
      %broadcast_in_dim3A_678 = vector.shape_cast %select_n3A_677 : vector<16xi32> to vector<16x1xi32>
      %gather3A_679 = vector.shape_cast %broadcast_in_dim3A_678 : vector<16x1xi32> to vector<16xi32>
      %gather3A_680 = tpu.dynamic_gather %min3A_667[%gather3A_679] in [0] : vector<16xi32>, vector<16xi32> -> vector<16xi32>
      %min3A_681 = arith.minsi %min3A_667, %gather3A_680 : vector<16xi32>
      %slice3A_682 = vector.extract_strided_slice %min3A_681 {offsets = [0], sizes = [1], strides = [1]} : vector<16xi32> to vector<1xi32>
      %squeeze3A_683 = vector.extract %slice3A_682[0] : i32 from vector<1xi32>
      %and3A_684 = arith.constant 127 : i32
      %and3A_685 = arith.andi %squeeze3A_683, %and3A_684 : i32
      %shift_right_arithmetic3A_686 = arith.constant 7 : i32
      %shift_right_arithmetic3A_687 = vector.broadcast %shift_right_arithmetic3A_686 : i32 to vector<16xi32>
      %shift_right_arithmetic3A_688 = arith.shrsi %min3A_681, %shift_right_arithmetic3A_687 : vector<16xi32>
      %eq3A_689 = arith.cmpi eq, %iota3A, %shift_right_arithmetic3A_688 : vector<16xi32>
      %get3A_690 = arith.index_cast %and3A_685 : i32 to index
      %get3A_691 = arith.constant 0 : index
      %get3A_692 = tpu.vector_load %arg4[%get3A_690, %get3A_691] {strides = array<i32>} : memref<128x48xf32, #tpu.memory_space<vmem>>, vector<1x16xf32>,
      %get3A_693 = vector.shape_cast %get3A_692 : vector<1x16xf32> to vector<16xf32>
      %get3A_694 = arith.index_cast %and3A_685 : i32 to index
      %get3A_695 = arith.constant 16 : index
      %get3A_696 = tpu.vector_load %arg4[%get3A_694, %get3A_695] {strides = array<i32>} : memref<128x48xf32, #tpu.memory_space<vmem>>, vector<1x16xf32>,
      %get3A_697 = vector.shape_cast %get3A_696 : vector<1x16xf32> to vector<16xf32>
      %get3A_698 = arith.index_cast %and3A_685 : i32 to index
      %get3A_699 = arith.constant 32 : index
      %get3A_700 = tpu.vector_load %arg4[%get3A_698, %get3A_699] {strides = array<i32>} : memref<128x48xf32, #tpu.memory_space<vmem>>, vector<1x16xf32>,
      %get3A_701 = vector.shape_cast %get3A_700 : vector<1x16xf32> to vector<16xf32>
      %lt3A_702 = arith.constant 0 : i32
      %lt3A_703 = vector.broadcast %lt3A_702 : i32 to vector<16xi32>
      %lt3A_704 = arith.cmpi slt, %shift_right_arithmetic3A_688, %lt3A_703 : vector<16xi32>
      %add3A_705 = arith.constant 16 : i32
      %add3A_706 = vector.broadcast %add3A_705 : i32 to vector<16xi32>
      %add3A_707 = arith.addi %shift_right_arithmetic3A_688, %add3A_706 : vector<16xi32>
      %select_n3A_708 = arith.select %lt3A_704, %add3A_707, %shift_right_arithmetic3A_688 : vector<16xi1>, vector<16xi32>
      %broadcast_in_dim3A_709 = vector.shape_cast %select_n3A_708 : vector<16xi32> to vector<16x1xi32>
      %gather3A_710 = vector.shape_cast %broadcast_in_dim3A_709 : vector<16x1xi32> to vector<16xi32>
      %gather3A_711 = tpu.dynamic_gather %get3A_697[%gather3A_710] in [0] : vector<16xf32>, vector<16xi32> -> vector<16xf32>
      %lt3A_712 = arith.constant 0 : i32
      %lt3A_713 = vector.broadcast %lt3A_712 : i32 to vector<16xi32>
      %lt3A_714 = arith.cmpi slt, %shift_right_arithmetic3A_688, %lt3A_713 : vector<16xi32>
      %add3A_715 = arith.constant 16 : i32
      %add3A_716 = vector.broadcast %add3A_715 : i32 to vector<16xi32>
      %add3A_717 = arith.addi %shift_right_arithmetic3A_688, %add3A_716 : vector<16xi32>
      %select_n3A_718 = arith.select %lt3A_714, %add3A_717, %shift_right_arithmetic3A_688 : vector<16xi1>, vector<16xi32>
      %broadcast_in_dim3A_719 = vector.shape_cast %select_n3A_718 : vector<16xi32> to vector<16x1xi32>
      %gather3A_720 = vector.shape_cast %broadcast_in_dim3A_719 : vector<16x1xi32> to vector<16xi32>
      %gather3A_721 = tpu.dynamic_gather %get3A_701[%gather3A_720] in [0] : vector<16xf32>, vector<16xi32> -> vector<16xf32>
      %jit3A_722 = arith.constant -1.000000e+00 : f32
      %broadcast_in_dim3A_723 = vector.broadcast %jit3A_722 : f32 to vector<16xf32>
      %select_n3A_724 = arith.select %eq3A_689, %broadcast_in_dim3A_723, %get3A_693 : vector<16xi1>, vector<16xf32>
      %swap3A_725 = arith.index_cast %and3A_685 : i32 to index
      %swap3A_726 = arith.constant 0 : index
      %swap3A_727 = tpu.vector_load %arg4[%swap3A_725, %swap3A_726] {strides = array<i32>} : memref<128x48xf32, #tpu.memory_space<vmem>>, vector<1x16xf32>,
      %swap3A_728 = vector.shape_cast %swap3A_727 : vector<1x16xf32> to vector<16xf32>
      %swap3A_729 = vector.shape_cast %select_n3A_724 : vector<16xf32> to vector<1x16xf32>
      tpu.vector_store %arg4[%swap3A_725, %swap3A_726], %swap3A_729 {strides = array<i32>} : memref<128x48xf32, #tpu.memory_space<vmem>>, vector<1x16xf32>,
      %eq3A_730 = arith.constant 3 : i32
      %eq3A_731 = vector.broadcast %eq3A_730 : i32 to vector<16xi32>
      %eq3A_732 = arith.cmpi eq, %iota3A, %eq3A_731 : vector<16xi32>
      %convert_element_type3A_733 = arith.sitofp %min3A_681 : vector<16xi32> to vector<16xf32>
      %select_n3A_734 = arith.select %eq3A_732, %convert_element_type3A_733, %select_n3A_549 : vector<16xi1>, vector<16xf32>
      %select_n3A_735 = arith.select %eq3A_732, %gather3A_711, %select_n3A_550 : vector<16xi1>, vector<16xf32>
      %select_n3A_736 = arith.select %eq3A_732, %gather3A_721, %select_n3A_551 : vector<16xi1>, vector<16xf32>
      %broadcast_in_dim3A_737 = arith.constant -2.000000e+00 : f32
      %broadcast_in_dim3A_738 = vector.broadcast %broadcast_in_dim3A_737 : f32 to vector<16xf32>
      %broadcast_in_dim3A_739 = arith.constant 0 : i32
      %broadcast_in_dim3A_740 = vector.broadcast %broadcast_in_dim3A_739 : i32 to vector<16xi32>
      %scan3A_741 = arith.constant 0 : i32
      %scan3A_742 = arith.constant 128 : i32
      %scan3A_743 = arith.addi %scan3A_741, %scan3A_742 : i32
      %scan3A_744 = arith.constant 1 : i32
      %scan3A_745:2 = scf.for %scan3A_943 = %scan3A_741 to %scan3A_743 step %scan3A_744 iter_args(%scan3A_944 = %broadcast_in_dim3A_738, %scan3A_945 = %broadcast_in_dim3A_740) -> (vector<16xf32>, vector<16xi32>)  : i32 {
        %get3A_946 = arith.index_cast %scan3A_943 : i32 to index
        %get3A_947 = arith.constant 0 : index
        %get3A_948 = tpu.vector_load %arg4[%get3A_946, %get3A_947] {strides = array<i32>} : memref<128x48xf32, #tpu.memory_space<vmem>>, vector<1x16xf32>,
        %get3A_949 = vector.shape_cast %get3A_948 : vector<1x16xf32> to vector<16xf32>
        %gt3A = arith.cmpf ogt, %get3A_949, %scan3A_944 : vector<16xf32>
        %select_n3A_950 = arith.select %gt3A, %get3A_949, %scan3A_944 : vector<16xi1>, vector<16xf32>
        %broadcast_in_dim3A_951 = vector.broadcast %scan3A_943 : i32 to vector<16xi32>
        %select_n3A_952 = arith.select %gt3A, %broadcast_in_dim3A_951, %scan3A_945 : vector<16xi1>, vector<16xi32>
        scf.yield %select_n3A_950, %select_n3A_952 : vector<16xf32>, vector<16xi32>
      }
      %scan3A_746 = arith.constant 128 : i32
      %xor3A_747 = arith.constant 8 : i32
      %xor3A_748 = vector.broadcast %xor3A_747 : i32 to vector<16xi32>
      %xor3A_749 = arith.xori %iota3A, %xor3A_748 : vector<16xi32>
      %lt3A_750 = arith.constant 0 : i32
      %lt3A_751 = vector.broadcast %lt3A_750 : i32 to vector<16xi32>
      %lt3A_752 = arith.cmpi slt, %xor3A_749, %lt3A_751 : vector<16xi32>
      %add3A_753 = arith.constant 16 : i32
      %add3A_754 = vector.broadcast %add3A_753 : i32 to vector<16xi32>
      %add3A_755 = arith.addi %xor3A_749, %add3A_754 : vector<16xi32>
      %select_n3A_756 = arith.select %lt3A_752, %add3A_755, %xor3A_749 : vector<16xi1>, vector<16xi32>
      %broadcast_in_dim3A_757 = vector.shape_cast %select_n3A_756 : vector<16xi32> to vector<16x1xi32>
      %gather3A_758 = vector.shape_cast %broadcast_in_dim3A_757 : vector<16x1xi32> to vector<16xi32>
      %gather3A_759 = tpu.dynamic_gather %scan3A_745#0[%gather3A_758] in [0] : vector<16xf32>, vector<16xi32> -> vector<16xf32>
      %max3A_760 = arith.maximumf %scan3A_745#0, %gather3A_759 : vector<16xf32>
      %xor3A_761 = arith.constant 4 : i32
      %xor3A_762 = vector.broadcast %xor3A_761 : i32 to vector<16xi32>
      %xor3A_763 = arith.xori %iota3A, %xor3A_762 : vector<16xi32>
      %lt3A_764 = arith.constant 0 : i32
      %lt3A_765 = vector.broadcast %lt3A_764 : i32 to vector<16xi32>
      %lt3A_766 = arith.cmpi slt, %xor3A_763, %lt3A_765 : vector<16xi32>
      %add3A_767 = arith.constant 16 : i32
      %add3A_768 = vector.broadcast %add3A_767 : i32 to vector<16xi32>
      %add3A_769 = arith.addi %xor3A_763, %add3A_768 : vector<16xi32>
      %select_n3A_770 = arith.select %lt3A_766, %add3A_769, %xor3A_763 : vector<16xi1>, vector<16xi32>
      %broadcast_in_dim3A_771 = vector.shape_cast %select_n3A_770 : vector<16xi32> to vector<16x1xi32>
      %gather3A_772 = vector.shape_cast %broadcast_in_dim3A_771 : vector<16x1xi32> to vector<16xi32>
      %gather3A_773 = tpu.dynamic_gather %max3A_760[%gather3A_772] in [0] : vector<16xf32>, vector<16xi32> -> vector<16xf32>
      %max3A_774 = arith.maximumf %max3A_760, %gather3A_773 : vector<16xf32>
      %xor3A_775 = arith.constant 2 : i32
      %xor3A_776 = vector.broadcast %xor3A_775 : i32 to vector<16xi32>
      %xor3A_777 = arith.xori %iota3A, %xor3A_776 : vector<16xi32>
      %lt3A_778 = arith.constant 0 : i32
      %lt3A_779 = vector.broadcast %lt3A_778 : i32 to vector<16xi32>
      %lt3A_780 = arith.cmpi slt, %xor3A_777, %lt3A_779 : vector<16xi32>
      %add3A_781 = arith.constant 16 : i32
      %add3A_782 = vector.broadcast %add3A_781 : i32 to vector<16xi32>
      %add3A_783 = arith.addi %xor3A_777, %add3A_782 : vector<16xi32>
      %select_n3A_784 = arith.select %lt3A_780, %add3A_783, %xor3A_777 : vector<16xi1>, vector<16xi32>
      %broadcast_in_dim3A_785 = vector.shape_cast %select_n3A_784 : vector<16xi32> to vector<16x1xi32>
      %gather3A_786 = vector.shape_cast %broadcast_in_dim3A_785 : vector<16x1xi32> to vector<16xi32>
      %gather3A_787 = tpu.dynamic_gather %max3A_774[%gather3A_786] in [0] : vector<16xf32>, vector<16xi32> -> vector<16xf32>
      %max3A_788 = arith.maximumf %max3A_774, %gather3A_787 : vector<16xf32>
      %xor3A_789 = arith.constant 1 : i32
      %xor3A_790 = vector.broadcast %xor3A_789 : i32 to vector<16xi32>
      %xor3A_791 = arith.xori %iota3A, %xor3A_790 : vector<16xi32>
      %lt3A_792 = arith.constant 0 : i32
      %lt3A_793 = vector.broadcast %lt3A_792 : i32 to vector<16xi32>
      %lt3A_794 = arith.cmpi slt, %xor3A_791, %lt3A_793 : vector<16xi32>
      %add3A_795 = arith.constant 16 : i32
      %add3A_796 = vector.broadcast %add3A_795 : i32 to vector<16xi32>
      %add3A_797 = arith.addi %xor3A_791, %add3A_796 : vector<16xi32>
      %select_n3A_798 = arith.select %lt3A_794, %add3A_797, %xor3A_791 : vector<16xi1>, vector<16xi32>
      %broadcast_in_dim3A_799 = vector.shape_cast %select_n3A_798 : vector<16xi32> to vector<16x1xi32>
      %gather3A_800 = vector.shape_cast %broadcast_in_dim3A_799 : vector<16x1xi32> to vector<16xi32>
      %gather3A_801 = tpu.dynamic_gather %max3A_788[%gather3A_800] in [0] : vector<16xf32>, vector<16xi32> -> vector<16xf32>
      %max3A_802 = arith.maximumf %max3A_788, %gather3A_801 : vector<16xf32>
      %eq3A_803 = arith.cmpf oeq, %scan3A_745#0, %max3A_802 : vector<16xf32>
      %mul3A_804 = arith.constant 128 : i32
      %mul3A_805 = vector.broadcast %mul3A_804 : i32 to vector<16xi32>
      %mul3A_806 = arith.muli %mul3A_805, %iota3A : vector<16xi32>
      %add3A_807 = arith.addi %mul3A_806, %scan3A_745#1 : vector<16xi32>
      %jit3A_808 = arith.constant 4096 : i32
      %broadcast_in_dim3A_809 = vector.broadcast %jit3A_808 : i32 to vector<16xi32>
      %select_n3A_810 = arith.select %eq3A_803, %add3A_807, %broadcast_in_dim3A_809 : vector<16xi1>, vector<16xi32>
      %xor3A_811 = arith.constant 8 : i32
      %xor3A_812 = vector.broadcast %xor3A_811 : i32 to vector<16xi32>
      %xor3A_813 = arith.xori %iota3A, %xor3A_812 : vector<16xi32>
      %lt3A_814 = arith.constant 0 : i32
      %lt3A_815 = vector.broadcast %lt3A_814 : i32 to vector<16xi32>
      %lt3A_816 = arith.cmpi slt, %xor3A_813, %lt3A_815 : vector<16xi32>
      %add3A_817 = arith.constant 16 : i32
      %add3A_818 = vector.broadcast %add3A_817 : i32 to vector<16xi32>
      %add3A_819 = arith.addi %xor3A_813, %add3A_818 : vector<16xi32>
      %select_n3A_820 = arith.select %lt3A_816, %add3A_819, %xor3A_813 : vector<16xi1>, vector<16xi32>
      %broadcast_in_dim3A_821 = vector.shape_cast %select_n3A_820 : vector<16xi32> to vector<16x1xi32>
      %gather3A_822 = vector.shape_cast %broadcast_in_dim3A_821 : vector<16x1xi32> to vector<16xi32>
      %gather3A_823 = tpu.dynamic_gather %select_n3A_810[%gather3A_822] in [0] : vector<16xi32>, vector<16xi32> -> vector<16xi32>
      %min3A_824 = arith.minsi %select_n3A_810, %gather3A_823 : vector<16xi32>
      %xor3A_825 = arith.constant 4 : i32
      %xor3A_826 = vector.broadcast %xor3A_825 : i32 to vector<16xi32>
      %xor3A_827 = arith.xori %iota3A, %xor3A_826 : vector<16xi32>
      %lt3A_828 = arith.constant 0 : i32
      %lt3A_829 = vector.broadcast %lt3A_828 : i32 to vector<16xi32>
      %lt3A_830 = arith.cmpi slt, %xor3A_827, %lt3A_829 : vector<16xi32>
      %add3A_831 = arith.constant 16 : i32
      %add3A_832 = vector.broadcast %add3A_831 : i32 to vector<16xi32>
      %add3A_833 = arith.addi %xor3A_827, %add3A_832 : vector<16xi32>
      %select_n3A_834 = arith.select %lt3A_830, %add3A_833, %xor3A_827 : vector<16xi1>, vector<16xi32>
      %broadcast_in_dim3A_835 = vector.shape_cast %select_n3A_834 : vector<16xi32> to vector<16x1xi32>
      %gather3A_836 = vector.shape_cast %broadcast_in_dim3A_835 : vector<16x1xi32> to vector<16xi32>
      %gather3A_837 = tpu.dynamic_gather %min3A_824[%gather3A_836] in [0] : vector<16xi32>, vector<16xi32> -> vector<16xi32>
      %min3A_838 = arith.minsi %min3A_824, %gather3A_837 : vector<16xi32>
      %xor3A_839 = arith.constant 2 : i32
      %xor3A_840 = vector.broadcast %xor3A_839 : i32 to vector<16xi32>
      %xor3A_841 = arith.xori %iota3A, %xor3A_840 : vector<16xi32>
      %lt3A_842 = arith.constant 0 : i32
      %lt3A_843 = vector.broadcast %lt3A_842 : i32 to vector<16xi32>
      %lt3A_844 = arith.cmpi slt, %xor3A_841, %lt3A_843 : vector<16xi32>
      %add3A_845 = arith.constant 16 : i32
      %add3A_846 = vector.broadcast %add3A_845 : i32 to vector<16xi32>
      %add3A_847 = arith.addi %xor3A_841, %add3A_846 : vector<16xi32>
      %select_n3A_848 = arith.select %lt3A_844, %add3A_847, %xor3A_841 : vector<16xi1>, vector<16xi32>
      %broadcast_in_dim3A_849 = vector.shape_cast %select_n3A_848 : vector<16xi32> to vector<16x1xi32>
      %gather3A_850 = vector.shape_cast %broadcast_in_dim3A_849 : vector<16x1xi32> to vector<16xi32>
      %gather3A_851 = tpu.dynamic_gather %min3A_838[%gather3A_850] in [0] : vector<16xi32>, vector<16xi32> -> vector<16xi32>
      %min3A_852 = arith.minsi %min3A_838, %gather3A_851 : vector<16xi32>
      %xor3A_853 = arith.constant 1 : i32
      %xor3A_854 = vector.broadcast %xor3A_853 : i32 to vector<16xi32>
      %xor3A_855 = arith.xori %iota3A, %xor3A_854 : vector<16xi32>
      %lt3A_856 = arith.constant 0 : i32
      %lt3A_857 = vector.broadcast %lt3A_856 : i32 to vector<16xi32>
      %lt3A_858 = arith.cmpi slt, %xor3A_855, %lt3A_857 : vector<16xi32>
      %add3A_859 = arith.constant 16 : i32
      %add3A_860 = vector.broadcast %add3A_859 : i32 to vector<16xi32>
      %add3A_861 = arith.addi %xor3A_855, %add3A_860 : vector<16xi32>
      %select_n3A_862 = arith.select %lt3A_858, %add3A_861, %xor3A_855 : vector<16xi1>, vector<16xi32>
      %broadcast_in_dim3A_863 = vector.shape_cast %select_n3A_862 : vector<16xi32> to vector<16x1xi32>
      %gather3A_864 = vector.shape_cast %broadcast_in_dim3A_863 : vector<16x1xi32> to vector<16xi32>
      %gather3A_865 = tpu.dynamic_gather %min3A_852[%gather3A_864] in [0] : vector<16xi32>, vector<16xi32> -> vector<16xi32>
      %min3A_866 = arith.minsi %min3A_852, %gather3A_865 : vector<16xi32>
      %slice3A_867 = vector.extract_strided_slice %min3A_866 {offsets = [0], sizes = [1], strides = [1]} : vector<16xi32> to vector<1xi32>
      %squeeze3A_868 = vector.extract %slice3A_867[0] : i32 from vector<1xi32>
      %and3A_869 = arith.constant 127 : i32
      %and3A_870 = arith.andi %squeeze3A_868, %and3A_869 : i32
      %shift_right_arithmetic3A_871 = arith.constant 7 : i32
      %shift_right_arithmetic3A_872 = vector.broadcast %shift_right_arithmetic3A_871 : i32 to vector<16xi32>
      %shift_right_arithmetic3A_873 = arith.shrsi %min3A_866, %shift_right_arithmetic3A_872 : vector<16xi32>
      %eq3A_874 = arith.cmpi eq, %iota3A, %shift_right_arithmetic3A_873 : vector<16xi32>
      %get3A_875 = arith.index_cast %and3A_870 : i32 to index
      %get3A_876 = arith.constant 0 : index
      %get3A_877 = tpu.vector_load %arg4[%get3A_875, %get3A_876] {strides = array<i32>} : memref<128x48xf32, #tpu.memory_space<vmem>>, vector<1x16xf32>,
      %get3A_878 = vector.shape_cast %get3A_877 : vector<1x16xf32> to vector<16xf32>
      %get3A_879 = arith.index_cast %and3A_870 : i32 to index
      %get3A_880 = arith.constant 16 : index
      %get3A_881 = tpu.vector_load %arg4[%get3A_879, %get3A_880] {strides = array<i32>} : memref<128x48xf32, #tpu.memory_space<vmem>>, vector<1x16xf32>,
      %get3A_882 = vector.shape_cast %get3A_881 : vector<1x16xf32> to vector<16xf32>
      %get3A_883 = arith.index_cast %and3A_870 : i32 to index
      %get3A_884 = arith.constant 32 : index
      %get3A_885 = tpu.vector_load %arg4[%get3A_883, %get3A_884] {strides = array<i32>} : memref<128x48xf32, #tpu.memory_space<vmem>>, vector<1x16xf32>,
      %get3A_886 = vector.shape_cast %get3A_885 : vector<1x16xf32> to vector<16xf32>
      %lt3A_887 = arith.constant 0 : i32
      %lt3A_888 = vector.broadcast %lt3A_887 : i32 to vector<16xi32>
      %lt3A_889 = arith.cmpi slt, %shift_right_arithmetic3A_873, %lt3A_888 : vector<16xi32>
      %add3A_890 = arith.constant 16 : i32
      %add3A_891 = vector.broadcast %add3A_890 : i32 to vector<16xi32>
      %add3A_892 = arith.addi %shift_right_arithmetic3A_873, %add3A_891 : vector<16xi32>
      %select_n3A_893 = arith.select %lt3A_889, %add3A_892, %shift_right_arithmetic3A_873 : vector<16xi1>, vector<16xi32>
      %broadcast_in_dim3A_894 = vector.shape_cast %select_n3A_893 : vector<16xi32> to vector<16x1xi32>
      %gather3A_895 = vector.shape_cast %broadcast_in_dim3A_894 : vector<16x1xi32> to vector<16xi32>
      %gather3A_896 = tpu.dynamic_gather %get3A_882[%gather3A_895] in [0] : vector<16xf32>, vector<16xi32> -> vector<16xf32>
      %lt3A_897 = arith.constant 0 : i32
      %lt3A_898 = vector.broadcast %lt3A_897 : i32 to vector<16xi32>
      %lt3A_899 = arith.cmpi slt, %shift_right_arithmetic3A_873, %lt3A_898 : vector<16xi32>
      %add3A_900 = arith.constant 16 : i32
      %add3A_901 = vector.broadcast %add3A_900 : i32 to vector<16xi32>
      %add3A_902 = arith.addi %shift_right_arithmetic3A_873, %add3A_901 : vector<16xi32>
      %select_n3A_903 = arith.select %lt3A_899, %add3A_902, %shift_right_arithmetic3A_873 : vector<16xi1>, vector<16xi32>
      %broadcast_in_dim3A_904 = vector.shape_cast %select_n3A_903 : vector<16xi32> to vector<16x1xi32>
      %gather3A_905 = vector.shape_cast %broadcast_in_dim3A_904 : vector<16x1xi32> to vector<16xi32>
      %gather3A_906 = tpu.dynamic_gather %get3A_886[%gather3A_905] in [0] : vector<16xf32>, vector<16xi32> -> vector<16xf32>
      %jit3A_907 = arith.constant -1.000000e+00 : f32
      %broadcast_in_dim3A_908 = vector.broadcast %jit3A_907 : f32 to vector<16xf32>
      %select_n3A_909 = arith.select %eq3A_874, %broadcast_in_dim3A_908, %get3A_878 : vector<16xi1>, vector<16xf32>
      %swap3A_910 = arith.index_cast %and3A_870 : i32 to index
      %swap3A_911 = arith.constant 0 : index
      %swap3A_912 = tpu.vector_load %arg4[%swap3A_910, %swap3A_911] {strides = array<i32>} : memref<128x48xf32, #tpu.memory_space<vmem>>, vector<1x16xf32>,
      %swap3A_913 = vector.shape_cast %swap3A_912 : vector<1x16xf32> to vector<16xf32>
      %swap3A_914 = vector.shape_cast %select_n3A_909 : vector<16xf32> to vector<1x16xf32>
      tpu.vector_store %arg4[%swap3A_910, %swap3A_911], %swap3A_914 {strides = array<i32>} : memref<128x48xf32, #tpu.memory_space<vmem>>, vector<1x16xf32>,
      %eq3A_915 = arith.constant 4 : i32
      %eq3A_916 = vector.broadcast %eq3A_915 : i32 to vector<16xi32>
      %eq3A_917 = arith.cmpi eq, %iota3A, %eq3A_916 : vector<16xi32>
      %convert_element_type3A_918 = arith.sitofp %min3A_866 : vector<16xi32> to vector<16xf32>
      %select_n3A_919 = arith.select %eq3A_917, %convert_element_type3A_918, %select_n3A_734 : vector<16xi1>, vector<16xf32>
      %select_n3A_920 = arith.select %eq3A_917, %gather3A_896, %select_n3A_735 : vector<16xi1>, vector<16xf32>
      %select_n3A_921 = arith.select %eq3A_917, %gather3A_906, %select_n3A_736 : vector<16xi1>, vector<16xf32>
      %swap3A_922 = arith.constant 0 : i32
      %swap3A_923 = arith.index_cast %swap3A_922 : i32 to index
      %swap3A_924 = arith.constant 0 : index
      %swap3A_925 = tpu.vector_load %arg5[%swap3A_923, %swap3A_924] {strides = array<i32>} : memref<3x16xf32, #tpu.memory_space<vmem>>, vector<1x16xf32>,
      %swap3A_926 = vector.shape_cast %swap3A_925 : vector<1x16xf32> to vector<16xf32>
      %swap3A_927 = vector.shape_cast %select_n3A_919 : vector<16xf32> to vector<1x16xf32>
      tpu.vector_store %arg5[%swap3A_923, %swap3A_924], %swap3A_927 {strides = array<i32>} : memref<3x16xf32, #tpu.memory_space<vmem>>, vector<1x16xf32>,
      %swap3A_928 = arith.constant 1 : i32
      %swap3A_929 = arith.index_cast %swap3A_928 : i32 to index
      %swap3A_930 = arith.constant 0 : index
      %swap3A_931 = tpu.vector_load %arg5[%swap3A_929, %swap3A_930] {strides = array<i32>} : memref<3x16xf32, #tpu.memory_space<vmem>>, vector<1x16xf32>,
      %swap3A_932 = vector.shape_cast %swap3A_931 : vector<1x16xf32> to vector<16xf32>
      %swap3A_933 = vector.shape_cast %select_n3A_920 : vector<16xf32> to vector<1x16xf32>
      tpu.vector_store %arg5[%swap3A_929, %swap3A_930], %swap3A_933 {strides = array<i32>} : memref<3x16xf32, #tpu.memory_space<vmem>>, vector<1x16xf32>,
      %swap3A_934 = arith.constant 2 : i32
      %swap3A_935 = arith.index_cast %swap3A_934 : i32 to index
      %swap3A_936 = arith.constant 0 : index
      %swap3A_937 = tpu.vector_load %arg5[%swap3A_935, %swap3A_936] {strides = array<i32>} : memref<3x16xf32, #tpu.memory_space<vmem>>, vector<1x16xf32>,
      %swap3A_938 = vector.shape_cast %swap3A_937 : vector<1x16xf32> to vector<16xf32>
      %swap3A_939 = vector.shape_cast %select_n3A_921 : vector<16xf32> to vector<1x16xf32>
      tpu.vector_store %arg5[%swap3A_935, %swap3A_936], %swap3A_939 {strides = array<i32>} : memref<3x16xf32, #tpu.memory_space<vmem>>, vector<1x16xf32>,
      %mul3A_940 = arith.constant 64 : i32
      %mul3A_941 = arith.muli %add3A, %mul3A_940 : i32
      %add3A_942 = arith.addi %mul3A_941, %scan3A_6 : i32
      "tpu.region"() ({
        %run_scoped3A = tpu.sem_alloc : memref<!tpu.dma_semaphore, #tpu.memory_space<semaphore_mem>>
        %dma_start3A = arith.constant 0 : i32
        %dma_start3A_943 = arith.constant 0 : i32
        %dma_start3A_944 = tpu.memref_slice %arg3[%add3A_942, %dma_start3A, %dma_start3A_943] : memref<2048x3x16xf32, #tpu.memory_space<hbm>> -> memref<1x3x16xf32, #tpu.memory_space<hbm>>
        %dma_start3A_945 = tpu.memref_squeeze %dma_start3A_944 : memref<1x3x16xf32, #tpu.memory_space<hbm>> -> memref<3x16xf32, #tpu.memory_space<hbm>>
        %dma_start3A_946 = arith.constant 0 : i32
        %dma_start3A_947 = arith.constant 0 : i32
        %dma_start3A_948 = tpu.memref_slice %arg3[%add3A_942, %dma_start3A_946, %dma_start3A_947] : memref<2048x3x16xf32, #tpu.memory_space<hbm>> -> memref<1x3x16xf32, #tpu.memory_space<hbm>>
        %dma_start3A_949 = tpu.memref_squeeze %dma_start3A_948 : memref<1x3x16xf32, #tpu.memory_space<hbm>> -> memref<3x16xf32, #tpu.memory_space<hbm>>
        tpu.enqueue_dma source(%arg5 : memref<3x16xf32, #tpu.memory_space<vmem>>) target(%dma_start3A_949 : memref<3x16xf32, #tpu.memory_space<hbm>>) target_semaphore(%run_scoped3A : memref<!tpu.dma_semaphore, #tpu.memory_space<semaphore_mem>>)
        %dma_wait3A = arith.constant 0 : i32
        %dma_wait3A_950 = arith.constant 0 : i32
        %dma_wait3A_951 = tpu.memref_slice %arg3[%add3A_942, %dma_wait3A, %dma_wait3A_950] : memref<2048x3x16xf32, #tpu.memory_space<hbm>> -> memref<1x3x16xf32, #tpu.memory_space<hbm>>
        %dma_wait3A_952 = tpu.memref_squeeze %dma_wait3A_951 : memref<1x3x16xf32, #tpu.memory_space<hbm>> -> memref<3x16xf32, #tpu.memory_space<hbm>>
        %dma_wait3A_953 = arith.constant 0 : i32
        %dma_wait3A_954 = arith.constant 0 : i32
        %dma_wait3A_955 = tpu.memref_slice %arg3[%add3A_942, %dma_wait3A_953, %dma_wait3A_954] : memref<2048x3x16xf32, #tpu.memory_space<hbm>> -> memref<1x3x16xf32, #tpu.memory_space<hbm>>
        %dma_wait3A_956 = tpu.memref_squeeze %dma_wait3A_955 : memref<1x3x16xf32, #tpu.memory_space<hbm>> -> memref<3x16xf32, #tpu.memory_space<hbm>>
        tpu.wait_dma2 semaphore(%run_scoped3A : memref<!tpu.dma_semaphore, #tpu.memory_space<semaphore_mem>>) src(%arg5 : memref<3x16xf32, #tpu.memory_space<vmem>>) dst(%dma_wait3A_956 : memref<3x16xf32, #tpu.memory_space<hbm>>)
        tpu.yield
      }) : () -> ()
    }
    %scan3A_5 = arith.constant 64 : i32
    return
  }
}

module attributes {stable_mosaic.version = 14 : i64} {
  func.func @_dft_body(%arg0: i32, %arg1: memref<1x8192x64xf32, #tpu.memory_space<vmem>>, %arg2: memref<128x128xf32, #tpu.memory_space<vmem>>, %arg3: memref<128x128xf32, #tpu.memory_space<vmem>>, %arg4: memref<128x64xf32, #tpu.memory_space<vmem>>, %arg5: memref<128x64xf32, #tpu.memory_space<vmem>>, %arg6: memref<64x16xf32, #tpu.memory_space<vmem>>, %arg7: memref<64x16xf32, #tpu.memory_space<vmem>>, %arg8: memref<128x16xi32, #tpu.memory_space<vmem>>, %arg9: memref<1x128x64x48xf32, #tpu.memory_space<vmem>>) attributes {dimension_semantics = [#tpu.dimension_semantics<parallel>], iteration_bounds = array<i64: 32>, scalar_prefetch = 0 : i64, scratch_operands = 0 : i64, tpu.core_type = #tpu.core_type<tc>, window_params = [{transform_indices = @transform_0, window_bounds = array<i64: 1, 8192, 64>}, {pipeline_mode = #tpu.pipeline_mode<synchronous>, transform_indices = @transform_1, window_bounds = array<i64: 128, 128>}, {pipeline_mode = #tpu.pipeline_mode<synchronous>, transform_indices = @transform_2, window_bounds = array<i64: 128, 128>}, {pipeline_mode = #tpu.pipeline_mode<synchronous>, transform_indices = @transform_3, window_bounds = array<i64: 128, 64>}, {pipeline_mode = #tpu.pipeline_mode<synchronous>, transform_indices = @transform_4, window_bounds = array<i64: 128, 64>}, {pipeline_mode = #tpu.pipeline_mode<synchronous>, transform_indices = @transform_5, window_bounds = array<i64: 64, 16>}, {pipeline_mode = #tpu.pipeline_mode<synchronous>, transform_indices = @transform_6, window_bounds = array<i64: 64, 16>}, {pipeline_mode = #tpu.pipeline_mode<synchronous>, transform_indices = @transform_7, window_bounds = array<i64: 128, 16>}, {transform_indices = @transform_8, window_bounds = array<i64: 1, 128, 64, 48>}]} {
    %get3A = arith.constant 0 : index
    %get3A_0 = arith.constant 0 : index
    %get3A_1 = arith.constant 0 : index
    %get3A_2 = vector.load %arg1[%get3A, %get3A_0, %get3A_1] : memref<1x8192x64xf32, #tpu.memory_space<vmem>>, vector<1x8192x64xf32>
    %get3A_3 = vector.shape_cast %get3A_2 : vector<1x8192x64xf32> to vector<8192x64xf32>
    %reshape3A = vector.shape_cast %get3A_3 : vector<8192x64xf32> to vector<128x64x64xf32>
    %transpose3A = tpu.transpose %reshape3A, [0, 2, 1] : vector<128x64x64xf32> -> vector<128x64x64xf32>
    %reshape3A_4 = vector.shape_cast %transpose3A : vector<128x64x64xf32> to vector<128x4096xf32>
    %get3A_5 = arith.constant 0 : index
    %get3A_6 = arith.constant 0 : index
    %get3A_7 = vector.load %arg2[%get3A_5, %get3A_6] : memref<128x128xf32, #tpu.memory_space<vmem>>, vector<128x128xf32>
    %dot_general3A = arith.constant dense<0.000000e+00> : vector<128x4096xf32>
    %dot_general3A_8 = tpu.matmul %get3A_7, %reshape3A_4, %dot_general3A {dimension_numbers = #tpu.dot_dimension_numbers<[1], [0], [0], [1], [0, 0, 1, 1], [], []>, precision = #tpu.contract_precision<fp32>, transpose_lhs_hint = false} : vector<128x128xf32>, vector<128x4096xf32>, vector<128x4096xf32> -> vector<128x4096xf32>
    %reshape3A_9 = vector.shape_cast %dot_general3A_8 : vector<128x4096xf32> to vector<128x64x64xf32>
    %get3A_10 = arith.constant 0 : index
    %get3A_11 = arith.constant 0 : index
    %get3A_12 = vector.load %arg3[%get3A_10, %get3A_11] : memref<128x128xf32, #tpu.memory_space<vmem>>, vector<128x128xf32>
    %dot_general3A_13 = arith.constant dense<0.000000e+00> : vector<128x4096xf32>
    %dot_general3A_14 = tpu.matmul %get3A_12, %reshape3A_4, %dot_general3A_13 {dimension_numbers = #tpu.dot_dimension_numbers<[1], [0], [0], [1], [0, 0, 1, 1], [], []>, precision = #tpu.contract_precision<fp32>, transpose_lhs_hint = false} : vector<128x128xf32>, vector<128x4096xf32>, vector<128x4096xf32> -> vector<128x4096xf32>
    %reshape3A_15 = vector.shape_cast %dot_general3A_14 : vector<128x4096xf32> to vector<128x64x64xf32>
    %get3A_16 = arith.constant 0 : index
    %get3A_17 = arith.constant 0 : index
    %get3A_18 = vector.load %arg4[%get3A_16, %get3A_17] : memref<128x64xf32, #tpu.memory_space<vmem>>, vector<128x64xf32>
    %reshape3A_19 = vector.shape_cast %get3A_18 : vector<128x64xf32> to vector<128x1x64xf32>
    %get3A_20 = arith.constant 0 : index
    %get3A_21 = arith.constant 0 : index
    %get3A_22 = vector.load %arg5[%get3A_20, %get3A_21] : memref<128x64xf32, #tpu.memory_space<vmem>>, vector<128x64xf32>
    %reshape3A_23 = vector.shape_cast %get3A_22 : vector<128x64xf32> to vector<128x1x64xf32>
    %mul3A = vector.broadcast %reshape3A_19 : vector<128x1x64xf32> to vector<128x64x64xf32>
    %mul3A_24 = arith.mulf %reshape3A_9, %mul3A : vector<128x64x64xf32>
    %mul3A_25 = vector.broadcast %reshape3A_23 : vector<128x1x64xf32> to vector<128x64x64xf32>
    %mul3A_26 = arith.mulf %reshape3A_15, %mul3A_25 : vector<128x64x64xf32>
    %sub3A = arith.subf %mul3A_24, %mul3A_26 : vector<128x64x64xf32>
    %mul3A_27 = vector.broadcast %reshape3A_23 : vector<128x1x64xf32> to vector<128x64x64xf32>
    %mul3A_28 = arith.mulf %reshape3A_9, %mul3A_27 : vector<128x64x64xf32>
    %mul3A_29 = vector.broadcast %reshape3A_19 : vector<128x1x64xf32> to vector<128x64x64xf32>
    %mul3A_30 = arith.mulf %reshape3A_15, %mul3A_29 : vector<128x64x64xf32>
    %add3A = arith.addf %mul3A_28, %mul3A_30 : vector<128x64x64xf32>
    %reshape3A_31 = vector.shape_cast %sub3A : vector<128x64x64xf32> to vector<8192x64xf32>
    %reshape3A_32 = vector.shape_cast %add3A : vector<128x64x64xf32> to vector<8192x64xf32>
    %get3A_33 = arith.constant 0 : index
    %get3A_34 = arith.constant 0 : index
    %get3A_35 = vector.load %arg6[%get3A_33, %get3A_34] : memref<64x16xf32, #tpu.memory_space<vmem>>, vector<64x16xf32>
    %get3A_36 = arith.constant 0 : index
    %get3A_37 = arith.constant 0 : index
    %get3A_38 = vector.load %arg7[%get3A_36, %get3A_37] : memref<64x16xf32, #tpu.memory_space<vmem>>, vector<64x16xf32>
    %concatenate3A = tpu.concatenate %get3A_35, %get3A_38 in 1 : vector<64x16xf32>, vector<64x16xf32> -> vector<64x32xf32>
    %dot_general3A_39 = arith.constant dense<0.000000e+00> : vector<8192x32xf32>
    %dot_general3A_40 = tpu.matmul %reshape3A_31, %concatenate3A, %dot_general3A_39 {dimension_numbers = #tpu.dot_dimension_numbers<[1], [0], [0], [1], [0, 0, 1, 1], [], []>, precision = #tpu.contract_precision<fp32>, transpose_lhs_hint = false} : vector<8192x64xf32>, vector<64x32xf32>, vector<8192x32xf32> -> vector<8192x32xf32>
    %dot_general3A_41 = arith.constant dense<0.000000e+00> : vector<8192x32xf32>
    %dot_general3A_42 = tpu.matmul %reshape3A_32, %concatenate3A, %dot_general3A_41 {dimension_numbers = #tpu.dot_dimension_numbers<[1], [0], [0], [1], [0, 0, 1, 1], [], []>, precision = #tpu.contract_precision<fp32>, transpose_lhs_hint = false} : vector<8192x64xf32>, vector<64x32xf32>, vector<8192x32xf32> -> vector<8192x32xf32>
    %slice3A = vector.extract_strided_slice %dot_general3A_40 {offsets = [0, 0], sizes = [8192, 16], strides = [1, 1]} : vector<8192x32xf32> to vector<8192x16xf32>
    %slice3A_43 = vector.extract_strided_slice %dot_general3A_42 {offsets = [0, 16], sizes = [8192, 16], strides = [1, 1]} : vector<8192x32xf32> to vector<8192x16xf32>
    %sub3A_44 = arith.subf %slice3A, %slice3A_43 : vector<8192x16xf32>
    %reshape3A_45 = vector.shape_cast %sub3A_44 : vector<8192x16xf32> to vector<128x64x16xf32>
    %slice3A_46 = vector.extract_strided_slice %dot_general3A_40 {offsets = [0, 16], sizes = [8192, 16], strides = [1, 1]} : vector<8192x32xf32> to vector<8192x16xf32>
    %slice3A_47 = vector.extract_strided_slice %dot_general3A_42 {offsets = [0, 0], sizes = [8192, 16], strides = [1, 1]} : vector<8192x32xf32> to vector<8192x16xf32>
    %add3A_48 = arith.addf %slice3A_46, %slice3A_47 : vector<8192x16xf32>
    %reshape3A_49 = vector.shape_cast %add3A_48 : vector<8192x16xf32> to vector<128x64x16xf32>
    %mul3A_50 = arith.mulf %reshape3A_45, %reshape3A_45 : vector<128x64x16xf32>
    %mul3A_51 = arith.mulf %reshape3A_49, %reshape3A_49 : vector<128x64x16xf32>
    %add3A_52 = arith.addf %mul3A_50, %mul3A_51 : vector<128x64x16xf32>
    %get3A_53 = arith.constant 0 : index
    %get3A_54 = arith.constant 0 : index
    %get3A_55 = vector.load %arg8[%get3A_53, %get3A_54] : memref<128x16xi32, #tpu.memory_space<vmem>>, vector<128x16xi32>
    %get3A_56 = arith.constant dense<0> : vector<128x16xi32>
    %get3A_57 = arith.cmpi ne, %get3A_55, %get3A_56 : vector<128x16xi32>
    %reshape3A_58 = vector.shape_cast %get3A_57 : vector<128x16xi1> to vector<128x1x16xi1>
    %jit3A = arith.constant -1.000000e+00 : f32
    %broadcast_in_dim3A = vector.shape_cast %reshape3A_58 : vector<128x1x16xi1> to vector<128x1x16xi1>
    %broadcast_in_dim3A_59 = vector.broadcast %broadcast_in_dim3A : vector<128x1x16xi1> to vector<128x64x16xi1>
    %broadcast_in_dim3A_60 = vector.broadcast %jit3A : f32 to vector<128x64x16xf32>
    %select_n3A = arith.select %broadcast_in_dim3A_59, %add3A_52, %broadcast_in_dim3A_60 : vector<128x64x16xi1>, vector<128x64x16xf32>
    %concatenate3A_61 = tpu.concatenate %select_n3A, %reshape3A_45, %reshape3A_49 in 2 : vector<128x64x16xf32>, vector<128x64x16xf32>, vector<128x64x16xf32> -> vector<128x64x48xf32>
    %swap3A = arith.constant 0 : index
    %swap3A_62 = arith.constant 0 : index
    %swap3A_63 = arith.constant 0 : index
    %swap3A_64 = arith.constant 0 : index
    %swap3A_65 = vector.load %arg9[%swap3A, %swap3A_62, %swap3A_63, %swap3A_64] : memref<1x128x64x48xf32, #tpu.memory_space<vmem>>, vector<1x128x64x48xf32>
    %swap3A_66 = vector.shape_cast %swap3A_65 : vector<1x128x64x48xf32> to vector<128x64x48xf32>
    %swap3A_67 = vector.shape_cast %concatenate3A_61 : vector<128x64x48xf32> to vector<1x128x64x48xf32>
    tpu.vector_store %arg9[%swap3A, %swap3A_62, %swap3A_63, %swap3A_64], %swap3A_67 {strides = array<i32>} : memref<1x128x64x48xf32, #tpu.memory_space<vmem>>, vector<1x128x64x48xf32>,
    return
  }
  func.func @transform_0(%arg0: i32) -> (i32, i32, i32) {
    %c0_i32 = arith.constant 0 : i32
    %c0_i32_0 = arith.constant 0 : i32
    %c0_i32_1 = arith.constant 0 : i32
    return %arg0, %c0_i32, %c0_i32_0 : i32, i32, i32
  }
  func.func @transform_1(%arg0: i32) -> (i32, i32) {
    %c0_i32 = arith.constant 0 : i32
    %c0_i32_0 = arith.constant 0 : i32
    %c0_i32_1 = arith.constant 0 : i32
    return %c0_i32, %c0_i32_0 : i32, i32
  }
  func.func @transform_2(%arg0: i32) -> (i32, i32) {
    %c0_i32 = arith.constant 0 : i32
    %c0_i32_0 = arith.constant 0 : i32
    %c0_i32_1 = arith.constant 0 : i32
    return %c0_i32, %c0_i32_0 : i32, i32
  }
  func.func @transform_3(%arg0: i32) -> (i32, i32) {
    %c0_i32 = arith.constant 0 : i32
    %c0_i32_0 = arith.constant 0 : i32
    %c0_i32_1 = arith.constant 0 : i32
    return %c0_i32, %c0_i32_0 : i32, i32
  }
  func.func @transform_4(%arg0: i32) -> (i32, i32) {
    %c0_i32 = arith.constant 0 : i32
    %c0_i32_0 = arith.constant 0 : i32
    %c0_i32_1 = arith.constant 0 : i32
    return %c0_i32, %c0_i32_0 : i32, i32
  }
  func.func @transform_5(%arg0: i32) -> (i32, i32) {
    %c0_i32 = arith.constant 0 : i32
    %c0_i32_0 = arith.constant 0 : i32
    %c0_i32_1 = arith.constant 0 : i32
    return %c0_i32, %c0_i32_0 : i32, i32
  }
  func.func @transform_6(%arg0: i32) -> (i32, i32) {
    %c0_i32 = arith.constant 0 : i32
    %c0_i32_0 = arith.constant 0 : i32
    %c0_i32_1 = arith.constant 0 : i32
    return %c0_i32, %c0_i32_0 : i32, i32
  }
  func.func @transform_7(%arg0: i32) -> (i32, i32) {
    %c0_i32 = arith.constant 0 : i32
    %c0_i32_0 = arith.constant 0 : i32
    %c0_i32_1 = arith.constant 0 : i32
    return %c0_i32, %c0_i32_0 : i32, i32
  }
  func.func @transform_8(%arg0: i32) -> (i32, i32, i32, i32) {
    %c0_i32 = arith.constant 0 : i32
    %c0_i32_0 = arith.constant 0 : i32
    %c0_i32_1 = arith.constant 0 : i32
    %c0_i32_2 = arith.constant 0 : i32
    return %arg0, %c0_i32, %c0_i32_0, %c0_i32_1 : i32, i32, i32, i32
  }
}

module attributes {stable_mosaic.version = 14 : i64} {
  func.func @_recon_body(%arg0: i32, %arg1: memref<1x8192x64xf32, #tpu.memory_space<vmem>>, %arg2: memref<64x3x16xf32, #tpu.memory_space<vmem>>, %arg3: memref<1x64x8192xf32, #tpu.memory_space<vmem>>, %arg4: memref<1x64x8192xf32, #tpu.memory_space<vmem>>) attributes {dimension_semantics = [#tpu.dimension_semantics<parallel>], iteration_bounds = array<i64: 32>, scalar_prefetch = 0 : i64, scratch_operands = 0 : i64, tpu.core_type = #tpu.core_type<tc>, window_params = [{transform_indices = @transform_0, window_bounds = array<i64: 1, 8192, 64>}, {transform_indices = @transform_1, window_bounds = array<i64: 64, 3, 16>}, {transform_indices = @transform_2, window_bounds = array<i64: 1, 64, 8192>}, {transform_indices = @transform_3, window_bounds = array<i64: 1, 64, 8192>}]} {
    %get3A = arith.constant 0 : index
    %get3A_0 = arith.constant 0 : index
    %get3A_1 = arith.constant 0 : index
    %get3A_2 = vector.load %arg1[%get3A, %get3A_0, %get3A_1] : memref<1x8192x64xf32, #tpu.memory_space<vmem>>, vector<1x8192x64xf32>
    %get3A_3 = vector.shape_cast %get3A_2 : vector<1x8192x64xf32> to vector<8192x64xf32>
    %transpose3A = tpu.transpose %get3A_3, [1, 0] : vector<8192x64xf32> -> vector<64x8192xf32>
    %get3A_4 = arith.constant 0 : index
    %get3A_5 = arith.constant 0 : index
    %get3A_6 = arith.constant 0 : index
    %get3A_7 = vector.load %arg2[%get3A_4, %get3A_5, %get3A_6] : memref<64x3x16xf32, #tpu.memory_space<vmem>>, vector<64x1x16xf32>
    %get3A_8 = vector.shape_cast %get3A_7 : vector<64x1x16xf32> to vector<64x16xf32>
    %get3A_9 = arith.constant 0 : index
    %get3A_10 = arith.constant 1 : index
    %get3A_11 = arith.constant 0 : index
    %get3A_12 = vector.load %arg2[%get3A_9, %get3A_10, %get3A_11] : memref<64x3x16xf32, #tpu.memory_space<vmem>>, vector<64x1x16xf32>
    %get3A_13 = vector.shape_cast %get3A_12 : vector<64x1x16xf32> to vector<64x16xf32>
    %get3A_14 = arith.constant 0 : index
    %get3A_15 = arith.constant 2 : index
    %get3A_16 = arith.constant 0 : index
    %get3A_17 = vector.load %arg2[%get3A_14, %get3A_15, %get3A_16] : memref<64x3x16xf32, #tpu.memory_space<vmem>>, vector<64x1x16xf32>
    %get3A_18 = vector.shape_cast %get3A_17 : vector<64x1x16xf32> to vector<64x16xf32>
    %iota3A = tpu.iota {dimensions = array<i32: 1>} : vector<64x64xi32>
    %iota3A_19 = tpu.iota {dimensions = array<i32: 1>} : vector<64x128xi32>
    %iota3A_20 = tpu.iota {dimensions = array<i32: 1>} : vector<64x16xi32>
    %broadcast_in_dim3A = arith.constant 0.000000e+00 : f32
    %broadcast_in_dim3A_21 = vector.broadcast %broadcast_in_dim3A : f32 to vector<64x64x128xf32>
    %eq3A = arith.constant 0 : i32
    %eq3A_22 = vector.broadcast %eq3A : i32 to vector<64x16xi32>
    %eq3A_23 = arith.cmpi eq, %iota3A_20, %eq3A_22 : vector<64x16xi32>
    %jit3A = arith.constant 0.000000e+00 : f32
    %broadcast_in_dim3A_24 = vector.broadcast %jit3A : f32 to vector<64x16xf32>
    %select_n3A = arith.select %eq3A_23, %get3A_8, %broadcast_in_dim3A_24 : vector<64x16xi1>, vector<64x16xf32>
    %reduce_sum3A = arith.constant dense<0.000000e+00> : vector<64xf32>
    %reduce_sum3A_25 = vector.multi_reduction <add>, %select_n3A, %reduce_sum3A [1] : vector<64x16xf32> to vector<64xf32>
    %convert_element_type3A = arith.fptosi %reduce_sum3A_25 : vector<64xf32> to vector<64xi32>
    %jit3A_26 = arith.constant 0.000000e+00 : f32
    %broadcast_in_dim3A_27 = vector.broadcast %jit3A_26 : f32 to vector<64x16xf32>
    %select_n3A_28 = arith.select %eq3A_23, %get3A_13, %broadcast_in_dim3A_27 : vector<64x16xi1>, vector<64x16xf32>
    %reduce_sum3A_29 = arith.constant dense<0.000000e+00> : vector<64xf32>
    %reduce_sum3A_30 = vector.multi_reduction <add>, %select_n3A_28, %reduce_sum3A_29 [1] : vector<64x16xf32> to vector<64xf32>
    %mul3A = arith.constant 2.44140625E-4 : f32
    %mul3A_31 = vector.broadcast %mul3A : f32 to vector<64xf32>
    %mul3A_32 = arith.mulf %reduce_sum3A_30, %mul3A_31 : vector<64xf32>
    %jit3A_33 = arith.constant 0.000000e+00 : f32
    %broadcast_in_dim3A_34 = vector.broadcast %jit3A_33 : f32 to vector<64x16xf32>
    %select_n3A_35 = arith.select %eq3A_23, %get3A_18, %broadcast_in_dim3A_34 : vector<64x16xi1>, vector<64x16xf32>
    %reduce_sum3A_36 = arith.constant dense<0.000000e+00> : vector<64xf32>
    %reduce_sum3A_37 = vector.multi_reduction <add>, %select_n3A_35, %reduce_sum3A_36 [1] : vector<64x16xf32> to vector<64xf32>
    %mul3A_38 = arith.constant 2.44140625E-4 : f32
    %mul3A_39 = vector.broadcast %mul3A_38 : f32 to vector<64xf32>
    %mul3A_40 = arith.mulf %reduce_sum3A_37, %mul3A_39 : vector<64xf32>
    %broadcast_in_dim3A_41 = vector.shape_cast %convert_element_type3A : vector<64xi32> to vector<64x1xi32>
    %mul3A_42 = vector.broadcast %broadcast_in_dim3A_41 : vector<64x1xi32> to vector<64x64xi32>
    %mul3A_43 = arith.muli %mul3A_42, %iota3A : vector<64x64xi32>
    %and3A = arith.constant 63 : i32
    %and3A_44 = vector.broadcast %and3A : i32 to vector<64x64xi32>
    %and3A_45 = arith.andi %mul3A_43, %and3A_44 : vector<64x64xi32>
    %broadcast_in_dim3A_46 = vector.shape_cast %convert_element_type3A : vector<64xi32> to vector<64x1xi32>
    %mul3A_47 = vector.broadcast %broadcast_in_dim3A_46 : vector<64x1xi32> to vector<64x128xi32>
    %mul3A_48 = arith.muli %mul3A_47, %iota3A_19 : vector<64x128xi32>
    %and3A_49 = arith.constant 8191 : i32
    %and3A_50 = vector.broadcast %and3A_49 : i32 to vector<64x128xi32>
    %and3A_51 = arith.andi %mul3A_48, %and3A_50 : vector<64x128xi32>
    %convert_element_type3A_52 = arith.sitofp %and3A_45 : vector<64x64xi32> to vector<64x64xf32>
    %mul3A_53 = arith.constant 0.0981747731 : f32
    %mul3A_54 = vector.broadcast %mul3A_53 : f32 to vector<64x64xf32>
    %mul3A_55 = arith.mulf %convert_element_type3A_52, %mul3A_54 : vector<64x64xf32>
    %convert_element_type3A_56 = arith.sitofp %and3A_51 : vector<64x128xi32> to vector<64x128xf32>
    %mul3A_57 = arith.constant 7.66990415E-4 : f32
    %mul3A_58 = vector.broadcast %mul3A_57 : f32 to vector<64x128xf32>
    %mul3A_59 = arith.mulf %convert_element_type3A_56, %mul3A_58 : vector<64x128xf32>
    %cos3A = math.cos %mul3A_55 : vector<64x64xf32>
    %sin3A = math.sin %mul3A_55 : vector<64x64xf32>
    %cos3A_60 = math.cos %mul3A_59 : vector<64x128xf32>
    %sin3A_61 = math.sin %mul3A_59 : vector<64x128xf32>
    %broadcast_in_dim3A_62 = vector.shape_cast %mul3A_32 : vector<64xf32> to vector<64x1xf32>
    %mul3A_63 = vector.broadcast %broadcast_in_dim3A_62 : vector<64x1xf32> to vector<64x64xf32>
    %mul3A_64 = arith.mulf %mul3A_63, %cos3A : vector<64x64xf32>
    %broadcast_in_dim3A_65 = vector.shape_cast %mul3A_40 : vector<64xf32> to vector<64x1xf32>
    %mul3A_66 = vector.broadcast %broadcast_in_dim3A_65 : vector<64x1xf32> to vector<64x64xf32>
    %mul3A_67 = arith.mulf %mul3A_66, %sin3A : vector<64x64xf32>
    %sub3A = arith.subf %mul3A_64, %mul3A_67 : vector<64x64xf32>
    %broadcast_in_dim3A_68 = vector.shape_cast %sub3A : vector<64x64xf32> to vector<64x64x1xf32>
    %broadcast_in_dim3A_69 = vector.shape_cast %mul3A_32 : vector<64xf32> to vector<64x1xf32>
    %mul3A_70 = vector.broadcast %broadcast_in_dim3A_69 : vector<64x1xf32> to vector<64x64xf32>
    %mul3A_71 = arith.mulf %mul3A_70, %sin3A : vector<64x64xf32>
    %broadcast_in_dim3A_72 = vector.shape_cast %mul3A_40 : vector<64xf32> to vector<64x1xf32>
    %mul3A_73 = vector.broadcast %broadcast_in_dim3A_72 : vector<64x1xf32> to vector<64x64xf32>
    %mul3A_74 = arith.mulf %mul3A_73, %cos3A : vector<64x64xf32>
    %add3A = arith.addf %mul3A_71, %mul3A_74 : vector<64x64xf32>
    %broadcast_in_dim3A_75 = vector.shape_cast %add3A : vector<64x64xf32> to vector<64x64x1xf32>
    %neg3A = arith.constant 0.000000e+00 : f32
    %neg3A_76 = vector.broadcast %neg3A : f32 to vector<64x64x1xf32>
    %neg3A_77 = arith.subf %neg3A_76, %broadcast_in_dim3A_75 : vector<64x64x1xf32>
    %broadcast_in_dim3A_78 = vector.shape_cast %cos3A_60 : vector<64x128xf32> to vector<64x1x128xf32>
    %mul3A_79 = vector.broadcast %broadcast_in_dim3A_68 : vector<64x64x1xf32> to vector<64x64x128xf32>
    %mul3A_80 = vector.broadcast %broadcast_in_dim3A_78 : vector<64x1x128xf32> to vector<64x64x128xf32>
    %mul3A_81 = arith.mulf %mul3A_79, %mul3A_80 : vector<64x64x128xf32>
    %add3A_82 = arith.addf %broadcast_in_dim3A_21, %mul3A_81 : vector<64x64x128xf32>
    %broadcast_in_dim3A_83 = vector.shape_cast %sin3A_61 : vector<64x128xf32> to vector<64x1x128xf32>
    %mul3A_84 = vector.broadcast %neg3A_77 : vector<64x64x1xf32> to vector<64x64x128xf32>
    %mul3A_85 = vector.broadcast %broadcast_in_dim3A_83 : vector<64x1x128xf32> to vector<64x64x128xf32>
    %mul3A_86 = arith.mulf %mul3A_84, %mul3A_85 : vector<64x64x128xf32>
    %add3A_87 = arith.addf %add3A_82, %mul3A_86 : vector<64x64x128xf32>
    %eq3A_88 = arith.constant 1 : i32
    %eq3A_89 = vector.broadcast %eq3A_88 : i32 to vector<64x16xi32>
    %eq3A_90 = arith.cmpi eq, %iota3A_20, %eq3A_89 : vector<64x16xi32>
    %jit3A_91 = arith.constant 0.000000e+00 : f32
    %broadcast_in_dim3A_92 = vector.broadcast %jit3A_91 : f32 to vector<64x16xf32>
    %select_n3A_93 = arith.select %eq3A_90, %get3A_8, %broadcast_in_dim3A_92 : vector<64x16xi1>, vector<64x16xf32>
    %reduce_sum3A_94 = arith.constant dense<0.000000e+00> : vector<64xf32>
    %reduce_sum3A_95 = vector.multi_reduction <add>, %select_n3A_93, %reduce_sum3A_94 [1] : vector<64x16xf32> to vector<64xf32>
    %convert_element_type3A_96 = arith.fptosi %reduce_sum3A_95 : vector<64xf32> to vector<64xi32>
    %jit3A_97 = arith.constant 0.000000e+00 : f32
    %broadcast_in_dim3A_98 = vector.broadcast %jit3A_97 : f32 to vector<64x16xf32>
    %select_n3A_99 = arith.select %eq3A_90, %get3A_13, %broadcast_in_dim3A_98 : vector<64x16xi1>, vector<64x16xf32>
    %reduce_sum3A_100 = arith.constant dense<0.000000e+00> : vector<64xf32>
    %reduce_sum3A_101 = vector.multi_reduction <add>, %select_n3A_99, %reduce_sum3A_100 [1] : vector<64x16xf32> to vector<64xf32>
    %mul3A_102 = arith.constant 2.44140625E-4 : f32
    %mul3A_103 = vector.broadcast %mul3A_102 : f32 to vector<64xf32>
    %mul3A_104 = arith.mulf %reduce_sum3A_101, %mul3A_103 : vector<64xf32>
    %jit3A_105 = arith.constant 0.000000e+00 : f32
    %broadcast_in_dim3A_106 = vector.broadcast %jit3A_105 : f32 to vector<64x16xf32>
    %select_n3A_107 = arith.select %eq3A_90, %get3A_18, %broadcast_in_dim3A_106 : vector<64x16xi1>, vector<64x16xf32>
    %reduce_sum3A_108 = arith.constant dense<0.000000e+00> : vector<64xf32>
    %reduce_sum3A_109 = vector.multi_reduction <add>, %select_n3A_107, %reduce_sum3A_108 [1] : vector<64x16xf32> to vector<64xf32>
    %mul3A_110 = arith.constant 2.44140625E-4 : f32
    %mul3A_111 = vector.broadcast %mul3A_110 : f32 to vector<64xf32>
    %mul3A_112 = arith.mulf %reduce_sum3A_109, %mul3A_111 : vector<64xf32>
    %broadcast_in_dim3A_113 = vector.shape_cast %convert_element_type3A_96 : vector<64xi32> to vector<64x1xi32>
    %mul3A_114 = vector.broadcast %broadcast_in_dim3A_113 : vector<64x1xi32> to vector<64x64xi32>
    %mul3A_115 = arith.muli %mul3A_114, %iota3A : vector<64x64xi32>
    %and3A_116 = arith.constant 63 : i32
    %and3A_117 = vector.broadcast %and3A_116 : i32 to vector<64x64xi32>
    %and3A_118 = arith.andi %mul3A_115, %and3A_117 : vector<64x64xi32>
    %broadcast_in_dim3A_119 = vector.shape_cast %convert_element_type3A_96 : vector<64xi32> to vector<64x1xi32>
    %mul3A_120 = vector.broadcast %broadcast_in_dim3A_119 : vector<64x1xi32> to vector<64x128xi32>
    %mul3A_121 = arith.muli %mul3A_120, %iota3A_19 : vector<64x128xi32>
    %and3A_122 = arith.constant 8191 : i32
    %and3A_123 = vector.broadcast %and3A_122 : i32 to vector<64x128xi32>
    %and3A_124 = arith.andi %mul3A_121, %and3A_123 : vector<64x128xi32>
    %convert_element_type3A_125 = arith.sitofp %and3A_118 : vector<64x64xi32> to vector<64x64xf32>
    %mul3A_126 = arith.constant 0.0981747731 : f32
    %mul3A_127 = vector.broadcast %mul3A_126 : f32 to vector<64x64xf32>
    %mul3A_128 = arith.mulf %convert_element_type3A_125, %mul3A_127 : vector<64x64xf32>
    %convert_element_type3A_129 = arith.sitofp %and3A_124 : vector<64x128xi32> to vector<64x128xf32>
    %mul3A_130 = arith.constant 7.66990415E-4 : f32
    %mul3A_131 = vector.broadcast %mul3A_130 : f32 to vector<64x128xf32>
    %mul3A_132 = arith.mulf %convert_element_type3A_129, %mul3A_131 : vector<64x128xf32>
    %cos3A_133 = math.cos %mul3A_128 : vector<64x64xf32>
    %sin3A_134 = math.sin %mul3A_128 : vector<64x64xf32>
    %cos3A_135 = math.cos %mul3A_132 : vector<64x128xf32>
    %sin3A_136 = math.sin %mul3A_132 : vector<64x128xf32>
    %broadcast_in_dim3A_137 = vector.shape_cast %mul3A_104 : vector<64xf32> to vector<64x1xf32>
    %mul3A_138 = vector.broadcast %broadcast_in_dim3A_137 : vector<64x1xf32> to vector<64x64xf32>
    %mul3A_139 = arith.mulf %mul3A_138, %cos3A_133 : vector<64x64xf32>
    %broadcast_in_dim3A_140 = vector.shape_cast %mul3A_112 : vector<64xf32> to vector<64x1xf32>
    %mul3A_141 = vector.broadcast %broadcast_in_dim3A_140 : vector<64x1xf32> to vector<64x64xf32>
    %mul3A_142 = arith.mulf %mul3A_141, %sin3A_134 : vector<64x64xf32>
    %sub3A_143 = arith.subf %mul3A_139, %mul3A_142 : vector<64x64xf32>
    %broadcast_in_dim3A_144 = vector.shape_cast %sub3A_143 : vector<64x64xf32> to vector<64x64x1xf32>
    %broadcast_in_dim3A_145 = vector.shape_cast %mul3A_104 : vector<64xf32> to vector<64x1xf32>
    %mul3A_146 = vector.broadcast %broadcast_in_dim3A_145 : vector<64x1xf32> to vector<64x64xf32>
    %mul3A_147 = arith.mulf %mul3A_146, %sin3A_134 : vector<64x64xf32>
    %broadcast_in_dim3A_148 = vector.shape_cast %mul3A_112 : vector<64xf32> to vector<64x1xf32>
    %mul3A_149 = vector.broadcast %broadcast_in_dim3A_148 : vector<64x1xf32> to vector<64x64xf32>
    %mul3A_150 = arith.mulf %mul3A_149, %cos3A_133 : vector<64x64xf32>
    %add3A_151 = arith.addf %mul3A_147, %mul3A_150 : vector<64x64xf32>
    %broadcast_in_dim3A_152 = vector.shape_cast %add3A_151 : vector<64x64xf32> to vector<64x64x1xf32>
    %neg3A_153 = arith.constant 0.000000e+00 : f32
    %neg3A_154 = vector.broadcast %neg3A_153 : f32 to vector<64x64x1xf32>
    %neg3A_155 = arith.subf %neg3A_154, %broadcast_in_dim3A_152 : vector<64x64x1xf32>
    %broadcast_in_dim3A_156 = vector.shape_cast %cos3A_135 : vector<64x128xf32> to vector<64x1x128xf32>
    %mul3A_157 = vector.broadcast %broadcast_in_dim3A_144 : vector<64x64x1xf32> to vector<64x64x128xf32>
    %mul3A_158 = vector.broadcast %broadcast_in_dim3A_156 : vector<64x1x128xf32> to vector<64x64x128xf32>
    %mul3A_159 = arith.mulf %mul3A_157, %mul3A_158 : vector<64x64x128xf32>
    %add3A_160 = arith.addf %add3A_87, %mul3A_159 : vector<64x64x128xf32>
    %broadcast_in_dim3A_161 = vector.shape_cast %sin3A_136 : vector<64x128xf32> to vector<64x1x128xf32>
    %mul3A_162 = vector.broadcast %neg3A_155 : vector<64x64x1xf32> to vector<64x64x128xf32>
    %mul3A_163 = vector.broadcast %broadcast_in_dim3A_161 : vector<64x1x128xf32> to vector<64x64x128xf32>
    %mul3A_164 = arith.mulf %mul3A_162, %mul3A_163 : vector<64x64x128xf32>
    %add3A_165 = arith.addf %add3A_160, %mul3A_164 : vector<64x64x128xf32>
    %eq3A_166 = arith.constant 2 : i32
    %eq3A_167 = vector.broadcast %eq3A_166 : i32 to vector<64x16xi32>
    %eq3A_168 = arith.cmpi eq, %iota3A_20, %eq3A_167 : vector<64x16xi32>
    %jit3A_169 = arith.constant 0.000000e+00 : f32
    %broadcast_in_dim3A_170 = vector.broadcast %jit3A_169 : f32 to vector<64x16xf32>
    %select_n3A_171 = arith.select %eq3A_168, %get3A_8, %broadcast_in_dim3A_170 : vector<64x16xi1>, vector<64x16xf32>
    %reduce_sum3A_172 = arith.constant dense<0.000000e+00> : vector<64xf32>
    %reduce_sum3A_173 = vector.multi_reduction <add>, %select_n3A_171, %reduce_sum3A_172 [1] : vector<64x16xf32> to vector<64xf32>
    %convert_element_type3A_174 = arith.fptosi %reduce_sum3A_173 : vector<64xf32> to vector<64xi32>
    %jit3A_175 = arith.constant 0.000000e+00 : f32
    %broadcast_in_dim3A_176 = vector.broadcast %jit3A_175 : f32 to vector<64x16xf32>
    %select_n3A_177 = arith.select %eq3A_168, %get3A_13, %broadcast_in_dim3A_176 : vector<64x16xi1>, vector<64x16xf32>
    %reduce_sum3A_178 = arith.constant dense<0.000000e+00> : vector<64xf32>
    %reduce_sum3A_179 = vector.multi_reduction <add>, %select_n3A_177, %reduce_sum3A_178 [1] : vector<64x16xf32> to vector<64xf32>
    %mul3A_180 = arith.constant 2.44140625E-4 : f32
    %mul3A_181 = vector.broadcast %mul3A_180 : f32 to vector<64xf32>
    %mul3A_182 = arith.mulf %reduce_sum3A_179, %mul3A_181 : vector<64xf32>
    %jit3A_183 = arith.constant 0.000000e+00 : f32
    %broadcast_in_dim3A_184 = vector.broadcast %jit3A_183 : f32 to vector<64x16xf32>
    %select_n3A_185 = arith.select %eq3A_168, %get3A_18, %broadcast_in_dim3A_184 : vector<64x16xi1>, vector<64x16xf32>
    %reduce_sum3A_186 = arith.constant dense<0.000000e+00> : vector<64xf32>
    %reduce_sum3A_187 = vector.multi_reduction <add>, %select_n3A_185, %reduce_sum3A_186 [1] : vector<64x16xf32> to vector<64xf32>
    %mul3A_188 = arith.constant 2.44140625E-4 : f32
    %mul3A_189 = vector.broadcast %mul3A_188 : f32 to vector<64xf32>
    %mul3A_190 = arith.mulf %reduce_sum3A_187, %mul3A_189 : vector<64xf32>
    %broadcast_in_dim3A_191 = vector.shape_cast %convert_element_type3A_174 : vector<64xi32> to vector<64x1xi32>
    %mul3A_192 = vector.broadcast %broadcast_in_dim3A_191 : vector<64x1xi32> to vector<64x64xi32>
    %mul3A_193 = arith.muli %mul3A_192, %iota3A : vector<64x64xi32>
    %and3A_194 = arith.constant 63 : i32
    %and3A_195 = vector.broadcast %and3A_194 : i32 to vector<64x64xi32>
    %and3A_196 = arith.andi %mul3A_193, %and3A_195 : vector<64x64xi32>
    %broadcast_in_dim3A_197 = vector.shape_cast %convert_element_type3A_174 : vector<64xi32> to vector<64x1xi32>
    %mul3A_198 = vector.broadcast %broadcast_in_dim3A_197 : vector<64x1xi32> to vector<64x128xi32>
    %mul3A_199 = arith.muli %mul3A_198, %iota3A_19 : vector<64x128xi32>
    %and3A_200 = arith.constant 8191 : i32
    %and3A_201 = vector.broadcast %and3A_200 : i32 to vector<64x128xi32>
    %and3A_202 = arith.andi %mul3A_199, %and3A_201 : vector<64x128xi32>
    %convert_element_type3A_203 = arith.sitofp %and3A_196 : vector<64x64xi32> to vector<64x64xf32>
    %mul3A_204 = arith.constant 0.0981747731 : f32
    %mul3A_205 = vector.broadcast %mul3A_204 : f32 to vector<64x64xf32>
    %mul3A_206 = arith.mulf %convert_element_type3A_203, %mul3A_205 : vector<64x64xf32>
    %convert_element_type3A_207 = arith.sitofp %and3A_202 : vector<64x128xi32> to vector<64x128xf32>
    %mul3A_208 = arith.constant 7.66990415E-4 : f32
    %mul3A_209 = vector.broadcast %mul3A_208 : f32 to vector<64x128xf32>
    %mul3A_210 = arith.mulf %convert_element_type3A_207, %mul3A_209 : vector<64x128xf32>
    %cos3A_211 = math.cos %mul3A_206 : vector<64x64xf32>
    %sin3A_212 = math.sin %mul3A_206 : vector<64x64xf32>
    %cos3A_213 = math.cos %mul3A_210 : vector<64x128xf32>
    %sin3A_214 = math.sin %mul3A_210 : vector<64x128xf32>
    %broadcast_in_dim3A_215 = vector.shape_cast %mul3A_182 : vector<64xf32> to vector<64x1xf32>
    %mul3A_216 = vector.broadcast %broadcast_in_dim3A_215 : vector<64x1xf32> to vector<64x64xf32>
    %mul3A_217 = arith.mulf %mul3A_216, %cos3A_211 : vector<64x64xf32>
    %broadcast_in_dim3A_218 = vector.shape_cast %mul3A_190 : vector<64xf32> to vector<64x1xf32>
    %mul3A_219 = vector.broadcast %broadcast_in_dim3A_218 : vector<64x1xf32> to vector<64x64xf32>
    %mul3A_220 = arith.mulf %mul3A_219, %sin3A_212 : vector<64x64xf32>
    %sub3A_221 = arith.subf %mul3A_217, %mul3A_220 : vector<64x64xf32>
    %broadcast_in_dim3A_222 = vector.shape_cast %sub3A_221 : vector<64x64xf32> to vector<64x64x1xf32>
    %broadcast_in_dim3A_223 = vector.shape_cast %mul3A_182 : vector<64xf32> to vector<64x1xf32>
    %mul3A_224 = vector.broadcast %broadcast_in_dim3A_223 : vector<64x1xf32> to vector<64x64xf32>
    %mul3A_225 = arith.mulf %mul3A_224, %sin3A_212 : vector<64x64xf32>
    %broadcast_in_dim3A_226 = vector.shape_cast %mul3A_190 : vector<64xf32> to vector<64x1xf32>
    %mul3A_227 = vector.broadcast %broadcast_in_dim3A_226 : vector<64x1xf32> to vector<64x64xf32>
    %mul3A_228 = arith.mulf %mul3A_227, %cos3A_211 : vector<64x64xf32>
    %add3A_229 = arith.addf %mul3A_225, %mul3A_228 : vector<64x64xf32>
    %broadcast_in_dim3A_230 = vector.shape_cast %add3A_229 : vector<64x64xf32> to vector<64x64x1xf32>
    %neg3A_231 = arith.constant 0.000000e+00 : f32
    %neg3A_232 = vector.broadcast %neg3A_231 : f32 to vector<64x64x1xf32>
    %neg3A_233 = arith.subf %neg3A_232, %broadcast_in_dim3A_230 : vector<64x64x1xf32>
    %broadcast_in_dim3A_234 = vector.shape_cast %cos3A_213 : vector<64x128xf32> to vector<64x1x128xf32>
    %mul3A_235 = vector.broadcast %broadcast_in_dim3A_222 : vector<64x64x1xf32> to vector<64x64x128xf32>
    %mul3A_236 = vector.broadcast %broadcast_in_dim3A_234 : vector<64x1x128xf32> to vector<64x64x128xf32>
    %mul3A_237 = arith.mulf %mul3A_235, %mul3A_236 : vector<64x64x128xf32>
    %add3A_238 = arith.addf %add3A_165, %mul3A_237 : vector<64x64x128xf32>
    %broadcast_in_dim3A_239 = vector.shape_cast %sin3A_214 : vector<64x128xf32> to vector<64x1x128xf32>
    %mul3A_240 = vector.broadcast %neg3A_233 : vector<64x64x1xf32> to vector<64x64x128xf32>
    %mul3A_241 = vector.broadcast %broadcast_in_dim3A_239 : vector<64x1x128xf32> to vector<64x64x128xf32>
    %mul3A_242 = arith.mulf %mul3A_240, %mul3A_241 : vector<64x64x128xf32>
    %add3A_243 = arith.addf %add3A_238, %mul3A_242 : vector<64x64x128xf32>
    %eq3A_244 = arith.constant 3 : i32
    %eq3A_245 = vector.broadcast %eq3A_244 : i32 to vector<64x16xi32>
    %eq3A_246 = arith.cmpi eq, %iota3A_20, %eq3A_245 : vector<64x16xi32>
    %jit3A_247 = arith.constant 0.000000e+00 : f32
    %broadcast_in_dim3A_248 = vector.broadcast %jit3A_247 : f32 to vector<64x16xf32>
    %select_n3A_249 = arith.select %eq3A_246, %get3A_8, %broadcast_in_dim3A_248 : vector<64x16xi1>, vector<64x16xf32>
    %reduce_sum3A_250 = arith.constant dense<0.000000e+00> : vector<64xf32>
    %reduce_sum3A_251 = vector.multi_reduction <add>, %select_n3A_249, %reduce_sum3A_250 [1] : vector<64x16xf32> to vector<64xf32>
    %convert_element_type3A_252 = arith.fptosi %reduce_sum3A_251 : vector<64xf32> to vector<64xi32>
    %jit3A_253 = arith.constant 0.000000e+00 : f32
    %broadcast_in_dim3A_254 = vector.broadcast %jit3A_253 : f32 to vector<64x16xf32>
    %select_n3A_255 = arith.select %eq3A_246, %get3A_13, %broadcast_in_dim3A_254 : vector<64x16xi1>, vector<64x16xf32>
    %reduce_sum3A_256 = arith.constant dense<0.000000e+00> : vector<64xf32>
    %reduce_sum3A_257 = vector.multi_reduction <add>, %select_n3A_255, %reduce_sum3A_256 [1] : vector<64x16xf32> to vector<64xf32>
    %mul3A_258 = arith.constant 2.44140625E-4 : f32
    %mul3A_259 = vector.broadcast %mul3A_258 : f32 to vector<64xf32>
    %mul3A_260 = arith.mulf %reduce_sum3A_257, %mul3A_259 : vector<64xf32>
    %jit3A_261 = arith.constant 0.000000e+00 : f32
    %broadcast_in_dim3A_262 = vector.broadcast %jit3A_261 : f32 to vector<64x16xf32>
    %select_n3A_263 = arith.select %eq3A_246, %get3A_18, %broadcast_in_dim3A_262 : vector<64x16xi1>, vector<64x16xf32>
    %reduce_sum3A_264 = arith.constant dense<0.000000e+00> : vector<64xf32>
    %reduce_sum3A_265 = vector.multi_reduction <add>, %select_n3A_263, %reduce_sum3A_264 [1] : vector<64x16xf32> to vector<64xf32>
    %mul3A_266 = arith.constant 2.44140625E-4 : f32
    %mul3A_267 = vector.broadcast %mul3A_266 : f32 to vector<64xf32>
    %mul3A_268 = arith.mulf %reduce_sum3A_265, %mul3A_267 : vector<64xf32>
    %broadcast_in_dim3A_269 = vector.shape_cast %convert_element_type3A_252 : vector<64xi32> to vector<64x1xi32>
    %mul3A_270 = vector.broadcast %broadcast_in_dim3A_269 : vector<64x1xi32> to vector<64x64xi32>
    %mul3A_271 = arith.muli %mul3A_270, %iota3A : vector<64x64xi32>
    %and3A_272 = arith.constant 63 : i32
    %and3A_273 = vector.broadcast %and3A_272 : i32 to vector<64x64xi32>
    %and3A_274 = arith.andi %mul3A_271, %and3A_273 : vector<64x64xi32>
    %broadcast_in_dim3A_275 = vector.shape_cast %convert_element_type3A_252 : vector<64xi32> to vector<64x1xi32>
    %mul3A_276 = vector.broadcast %broadcast_in_dim3A_275 : vector<64x1xi32> to vector<64x128xi32>
    %mul3A_277 = arith.muli %mul3A_276, %iota3A_19 : vector<64x128xi32>
    %and3A_278 = arith.constant 8191 : i32
    %and3A_279 = vector.broadcast %and3A_278 : i32 to vector<64x128xi32>
    %and3A_280 = arith.andi %mul3A_277, %and3A_279 : vector<64x128xi32>
    %convert_element_type3A_281 = arith.sitofp %and3A_274 : vector<64x64xi32> to vector<64x64xf32>
    %mul3A_282 = arith.constant 0.0981747731 : f32
    %mul3A_283 = vector.broadcast %mul3A_282 : f32 to vector<64x64xf32>
    %mul3A_284 = arith.mulf %convert_element_type3A_281, %mul3A_283 : vector<64x64xf32>
    %convert_element_type3A_285 = arith.sitofp %and3A_280 : vector<64x128xi32> to vector<64x128xf32>
    %mul3A_286 = arith.constant 7.66990415E-4 : f32
    %mul3A_287 = vector.broadcast %mul3A_286 : f32 to vector<64x128xf32>
    %mul3A_288 = arith.mulf %convert_element_type3A_285, %mul3A_287 : vector<64x128xf32>
    %cos3A_289 = math.cos %mul3A_284 : vector<64x64xf32>
    %sin3A_290 = math.sin %mul3A_284 : vector<64x64xf32>
    %cos3A_291 = math.cos %mul3A_288 : vector<64x128xf32>
    %sin3A_292 = math.sin %mul3A_288 : vector<64x128xf32>
    %broadcast_in_dim3A_293 = vector.shape_cast %mul3A_260 : vector<64xf32> to vector<64x1xf32>
    %mul3A_294 = vector.broadcast %broadcast_in_dim3A_293 : vector<64x1xf32> to vector<64x64xf32>
    %mul3A_295 = arith.mulf %mul3A_294, %cos3A_289 : vector<64x64xf32>
    %broadcast_in_dim3A_296 = vector.shape_cast %mul3A_268 : vector<64xf32> to vector<64x1xf32>
    %mul3A_297 = vector.broadcast %broadcast_in_dim3A_296 : vector<64x1xf32> to vector<64x64xf32>
    %mul3A_298 = arith.mulf %mul3A_297, %sin3A_290 : vector<64x64xf32>
    %sub3A_299 = arith.subf %mul3A_295, %mul3A_298 : vector<64x64xf32>
    %broadcast_in_dim3A_300 = vector.shape_cast %sub3A_299 : vector<64x64xf32> to vector<64x64x1xf32>
    %broadcast_in_dim3A_301 = vector.shape_cast %mul3A_260 : vector<64xf32> to vector<64x1xf32>
    %mul3A_302 = vector.broadcast %broadcast_in_dim3A_301 : vector<64x1xf32> to vector<64x64xf32>
    %mul3A_303 = arith.mulf %mul3A_302, %sin3A_290 : vector<64x64xf32>
    %broadcast_in_dim3A_304 = vector.shape_cast %mul3A_268 : vector<64xf32> to vector<64x1xf32>
    %mul3A_305 = vector.broadcast %broadcast_in_dim3A_304 : vector<64x1xf32> to vector<64x64xf32>
    %mul3A_306 = arith.mulf %mul3A_305, %cos3A_289 : vector<64x64xf32>
    %add3A_307 = arith.addf %mul3A_303, %mul3A_306 : vector<64x64xf32>
    %broadcast_in_dim3A_308 = vector.shape_cast %add3A_307 : vector<64x64xf32> to vector<64x64x1xf32>
    %neg3A_309 = arith.constant 0.000000e+00 : f32
    %neg3A_310 = vector.broadcast %neg3A_309 : f32 to vector<64x64x1xf32>
    %neg3A_311 = arith.subf %neg3A_310, %broadcast_in_dim3A_308 : vector<64x64x1xf32>
    %broadcast_in_dim3A_312 = vector.shape_cast %cos3A_291 : vector<64x128xf32> to vector<64x1x128xf32>
    %mul3A_313 = vector.broadcast %broadcast_in_dim3A_300 : vector<64x64x1xf32> to vector<64x64x128xf32>
    %mul3A_314 = vector.broadcast %broadcast_in_dim3A_312 : vector<64x1x128xf32> to vector<64x64x128xf32>
    %mul3A_315 = arith.mulf %mul3A_313, %mul3A_314 : vector<64x64x128xf32>
    %add3A_316 = arith.addf %add3A_243, %mul3A_315 : vector<64x64x128xf32>
    %broadcast_in_dim3A_317 = vector.shape_cast %sin3A_292 : vector<64x128xf32> to vector<64x1x128xf32>
    %mul3A_318 = vector.broadcast %neg3A_311 : vector<64x64x1xf32> to vector<64x64x128xf32>
    %mul3A_319 = vector.broadcast %broadcast_in_dim3A_317 : vector<64x1x128xf32> to vector<64x64x128xf32>
    %mul3A_320 = arith.mulf %mul3A_318, %mul3A_319 : vector<64x64x128xf32>
    %add3A_321 = arith.addf %add3A_316, %mul3A_320 : vector<64x64x128xf32>
    %eq3A_322 = arith.constant 4 : i32
    %eq3A_323 = vector.broadcast %eq3A_322 : i32 to vector<64x16xi32>
    %eq3A_324 = arith.cmpi eq, %iota3A_20, %eq3A_323 : vector<64x16xi32>
    %jit3A_325 = arith.constant 0.000000e+00 : f32
    %broadcast_in_dim3A_326 = vector.broadcast %jit3A_325 : f32 to vector<64x16xf32>
    %select_n3A_327 = arith.select %eq3A_324, %get3A_8, %broadcast_in_dim3A_326 : vector<64x16xi1>, vector<64x16xf32>
    %reduce_sum3A_328 = arith.constant dense<0.000000e+00> : vector<64xf32>
    %reduce_sum3A_329 = vector.multi_reduction <add>, %select_n3A_327, %reduce_sum3A_328 [1] : vector<64x16xf32> to vector<64xf32>
    %convert_element_type3A_330 = arith.fptosi %reduce_sum3A_329 : vector<64xf32> to vector<64xi32>
    %jit3A_331 = arith.constant 0.000000e+00 : f32
    %broadcast_in_dim3A_332 = vector.broadcast %jit3A_331 : f32 to vector<64x16xf32>
    %select_n3A_333 = arith.select %eq3A_324, %get3A_13, %broadcast_in_dim3A_332 : vector<64x16xi1>, vector<64x16xf32>
    %reduce_sum3A_334 = arith.constant dense<0.000000e+00> : vector<64xf32>
    %reduce_sum3A_335 = vector.multi_reduction <add>, %select_n3A_333, %reduce_sum3A_334 [1] : vector<64x16xf32> to vector<64xf32>
    %mul3A_336 = arith.constant 2.44140625E-4 : f32
    %mul3A_337 = vector.broadcast %mul3A_336 : f32 to vector<64xf32>
    %mul3A_338 = arith.mulf %reduce_sum3A_335, %mul3A_337 : vector<64xf32>
    %jit3A_339 = arith.constant 0.000000e+00 : f32
    %broadcast_in_dim3A_340 = vector.broadcast %jit3A_339 : f32 to vector<64x16xf32>
    %select_n3A_341 = arith.select %eq3A_324, %get3A_18, %broadcast_in_dim3A_340 : vector<64x16xi1>, vector<64x16xf32>
    %reduce_sum3A_342 = arith.constant dense<0.000000e+00> : vector<64xf32>
    %reduce_sum3A_343 = vector.multi_reduction <add>, %select_n3A_341, %reduce_sum3A_342 [1] : vector<64x16xf32> to vector<64xf32>
    %mul3A_344 = arith.constant 2.44140625E-4 : f32
    %mul3A_345 = vector.broadcast %mul3A_344 : f32 to vector<64xf32>
    %mul3A_346 = arith.mulf %reduce_sum3A_343, %mul3A_345 : vector<64xf32>
    %broadcast_in_dim3A_347 = vector.shape_cast %convert_element_type3A_330 : vector<64xi32> to vector<64x1xi32>
    %mul3A_348 = vector.broadcast %broadcast_in_dim3A_347 : vector<64x1xi32> to vector<64x64xi32>
    %mul3A_349 = arith.muli %mul3A_348, %iota3A : vector<64x64xi32>
    %and3A_350 = arith.constant 63 : i32
    %and3A_351 = vector.broadcast %and3A_350 : i32 to vector<64x64xi32>
    %and3A_352 = arith.andi %mul3A_349, %and3A_351 : vector<64x64xi32>
    %broadcast_in_dim3A_353 = vector.shape_cast %convert_element_type3A_330 : vector<64xi32> to vector<64x1xi32>
    %mul3A_354 = vector.broadcast %broadcast_in_dim3A_353 : vector<64x1xi32> to vector<64x128xi32>
    %mul3A_355 = arith.muli %mul3A_354, %iota3A_19 : vector<64x128xi32>
    %and3A_356 = arith.constant 8191 : i32
    %and3A_357 = vector.broadcast %and3A_356 : i32 to vector<64x128xi32>
    %and3A_358 = arith.andi %mul3A_355, %and3A_357 : vector<64x128xi32>
    %convert_element_type3A_359 = arith.sitofp %and3A_352 : vector<64x64xi32> to vector<64x64xf32>
    %mul3A_360 = arith.constant 0.0981747731 : f32
    %mul3A_361 = vector.broadcast %mul3A_360 : f32 to vector<64x64xf32>
    %mul3A_362 = arith.mulf %convert_element_type3A_359, %mul3A_361 : vector<64x64xf32>
    %convert_element_type3A_363 = arith.sitofp %and3A_358 : vector<64x128xi32> to vector<64x128xf32>
    %mul3A_364 = arith.constant 7.66990415E-4 : f32
    %mul3A_365 = vector.broadcast %mul3A_364 : f32 to vector<64x128xf32>
    %mul3A_366 = arith.mulf %convert_element_type3A_363, %mul3A_365 : vector<64x128xf32>
    %cos3A_367 = math.cos %mul3A_362 : vector<64x64xf32>
    %sin3A_368 = math.sin %mul3A_362 : vector<64x64xf32>
    %cos3A_369 = math.cos %mul3A_366 : vector<64x128xf32>
    %sin3A_370 = math.sin %mul3A_366 : vector<64x128xf32>
    %broadcast_in_dim3A_371 = vector.shape_cast %mul3A_338 : vector<64xf32> to vector<64x1xf32>
    %mul3A_372 = vector.broadcast %broadcast_in_dim3A_371 : vector<64x1xf32> to vector<64x64xf32>
    %mul3A_373 = arith.mulf %mul3A_372, %cos3A_367 : vector<64x64xf32>
    %broadcast_in_dim3A_374 = vector.shape_cast %mul3A_346 : vector<64xf32> to vector<64x1xf32>
    %mul3A_375 = vector.broadcast %broadcast_in_dim3A_374 : vector<64x1xf32> to vector<64x64xf32>
    %mul3A_376 = arith.mulf %mul3A_375, %sin3A_368 : vector<64x64xf32>
    %sub3A_377 = arith.subf %mul3A_373, %mul3A_376 : vector<64x64xf32>
    %broadcast_in_dim3A_378 = vector.shape_cast %sub3A_377 : vector<64x64xf32> to vector<64x64x1xf32>
    %broadcast_in_dim3A_379 = vector.shape_cast %mul3A_338 : vector<64xf32> to vector<64x1xf32>
    %mul3A_380 = vector.broadcast %broadcast_in_dim3A_379 : vector<64x1xf32> to vector<64x64xf32>
    %mul3A_381 = arith.mulf %mul3A_380, %sin3A_368 : vector<64x64xf32>
    %broadcast_in_dim3A_382 = vector.shape_cast %mul3A_346 : vector<64xf32> to vector<64x1xf32>
    %mul3A_383 = vector.broadcast %broadcast_in_dim3A_382 : vector<64x1xf32> to vector<64x64xf32>
    %mul3A_384 = arith.mulf %mul3A_383, %cos3A_367 : vector<64x64xf32>
    %add3A_385 = arith.addf %mul3A_381, %mul3A_384 : vector<64x64xf32>
    %broadcast_in_dim3A_386 = vector.shape_cast %add3A_385 : vector<64x64xf32> to vector<64x64x1xf32>
    %neg3A_387 = arith.constant 0.000000e+00 : f32
    %neg3A_388 = vector.broadcast %neg3A_387 : f32 to vector<64x64x1xf32>
    %neg3A_389 = arith.subf %neg3A_388, %broadcast_in_dim3A_386 : vector<64x64x1xf32>
    %broadcast_in_dim3A_390 = vector.shape_cast %cos3A_369 : vector<64x128xf32> to vector<64x1x128xf32>
    %mul3A_391 = vector.broadcast %broadcast_in_dim3A_378 : vector<64x64x1xf32> to vector<64x64x128xf32>
    %mul3A_392 = vector.broadcast %broadcast_in_dim3A_390 : vector<64x1x128xf32> to vector<64x64x128xf32>
    %mul3A_393 = arith.mulf %mul3A_391, %mul3A_392 : vector<64x64x128xf32>
    %add3A_394 = arith.addf %add3A_321, %mul3A_393 : vector<64x64x128xf32>
    %broadcast_in_dim3A_395 = vector.shape_cast %sin3A_370 : vector<64x128xf32> to vector<64x1x128xf32>
    %mul3A_396 = vector.broadcast %neg3A_389 : vector<64x64x1xf32> to vector<64x64x128xf32>
    %mul3A_397 = vector.broadcast %broadcast_in_dim3A_395 : vector<64x1x128xf32> to vector<64x64x128xf32>
    %mul3A_398 = arith.mulf %mul3A_396, %mul3A_397 : vector<64x64x128xf32>
    %add3A_399 = arith.addf %add3A_394, %mul3A_398 : vector<64x64x128xf32>
    %reshape3A = vector.shape_cast %add3A_399 : vector<64x64x128xf32> to vector<64x8192xf32>
    %swap3A = arith.constant 0 : index
    %swap3A_400 = arith.constant 0 : index
    %swap3A_401 = arith.constant 0 : index
    %swap3A_402 = vector.load %arg3[%swap3A, %swap3A_400, %swap3A_401] : memref<1x64x8192xf32, #tpu.memory_space<vmem>>, vector<1x64x8192xf32>
    %swap3A_403 = vector.shape_cast %swap3A_402 : vector<1x64x8192xf32> to vector<64x8192xf32>
    %swap3A_404 = vector.shape_cast %reshape3A : vector<64x8192xf32> to vector<1x64x8192xf32>
    tpu.vector_store %arg3[%swap3A, %swap3A_400, %swap3A_401], %swap3A_404 {strides = array<i32>} : memref<1x64x8192xf32, #tpu.memory_space<vmem>>, vector<1x64x8192xf32>,
    %sub3A_405 = arith.subf %transpose3A, %reshape3A : vector<64x8192xf32>
    %swap3A_406 = arith.constant 0 : index
    %swap3A_407 = arith.constant 0 : index
    %swap3A_408 = arith.constant 0 : index
    %swap3A_409 = vector.load %arg4[%swap3A_406, %swap3A_407, %swap3A_408] : memref<1x64x8192xf32, #tpu.memory_space<vmem>>, vector<1x64x8192xf32>
    %swap3A_410 = vector.shape_cast %swap3A_409 : vector<1x64x8192xf32> to vector<64x8192xf32>
    %swap3A_411 = vector.shape_cast %sub3A_405 : vector<64x8192xf32> to vector<1x64x8192xf32>
    tpu.vector_store %arg4[%swap3A_406, %swap3A_407, %swap3A_408], %swap3A_411 {strides = array<i32>} : memref<1x64x8192xf32, #tpu.memory_space<vmem>>, vector<1x64x8192xf32>,
    return
  }
  func.func @transform_0(%arg0: i32) -> (i32, i32, i32) {
    %c0_i32 = arith.constant 0 : i32
    %c0_i32_0 = arith.constant 0 : i32
    %c0_i32_1 = arith.constant 0 : i32
    return %arg0, %c0_i32, %c0_i32_0 : i32, i32, i32
  }
  func.func @transform_1(%arg0: i32) -> (i32, i32, i32) {
    %c0_i32 = arith.constant 0 : i32
    %c0_i32_0 = arith.constant 0 : i32
    %c0_i32_1 = arith.constant 0 : i32
    return %arg0, %c0_i32, %c0_i32_0 : i32, i32, i32
  }
  func.func @transform_2(%arg0: i32) -> (i32, i32, i32) {
    %c0_i32 = arith.constant 0 : i32
    %c0_i32_0 = arith.constant 0 : i32
    %c0_i32_1 = arith.constant 0 : i32
    return %arg0, %c0_i32, %c0_i32_0 : i32, i32, i32
  }
  func.func @transform_3(%arg0: i32) -> (i32, i32, i32) {
    %c0_i32 = arith.constant 0 : i32
    %c0_i32_0 = arith.constant 0 : i32
    %c0_i32_1 = arith.constant 0 : i32
    return %arg0, %c0_i32, %c0_i32_0 : i32, i32, i32
  }
}

</mosaic_0001>

<sc_bundles>
// kernel: kernel.5.cloned.1.call-start
scs
__scs_entry_jumppad:
0x0: {  	(pc) =	sbr.rel $0x88, $3  }
0x1: {  	(tag) =	ssettag $0x0;
	lr =	simm.s32 $0x1  }
0x2: {  	[smem:$0x3FA0] =	sst lr;
	_ =	strace $0xD0000000  }
0x3: {  	_ = 	snop  }
0x4: {  	_ = 	snop  }
0x5: {  	_ = 	snop  }
0x6: {  	_ = 	snop  }
0x7: {  	_ = 	snop  }
__scs_overlays_trampoline_lowered:
0x8: {  	[smem:$0x3FAF] =	sst s0  }
0x9: {  	[smem:$0x3FB0] =	sst s1  }
0xa: {  	[smem:$0x3FB1] =	sst s2  }
0xb: {  	[smem:$0x3FB2] =	sst s3  }
0xc: {  	[smem:$0x3FB3] =	sst s4  }
0xd: {  	[smem:$0x3FB4] =	sst s5  }
0xe: {  	[smem:$0x3FB5] =	sst s6  }
0xf: {  	[smem:$0x3FB6] =	sst s7  }
0x10: {  	[smem:$0x3FB7] =	sst s8  }
0x11: {  	[smem:$0x3FB8] =	sst s9;
	s0 =	simm.s32 @!p0 $0x0  }
0x12: {  	s1 =	sld [smem:$0x3F9E];
	s0 =	simm.s32 @p0 $0x1  }
0x13: {  	[smem:$0x3FB9] =	sst s0;
	s0 =	simm.s32 @!p1 $0x0  }
0x14: {  	s2 =	sld [smem:$0x3F9D];
	s0 =	simm.s32 @p1 $0x1  }
0x15: {  	[smem:$0x3FBA] =	sst s0;
	s0 =	simm.s32 @!p2 $0x0  }
0x16: {  	s3 =	sld [smem:$0x3FDB];
	s0 =	simm.s32 @p2 $0x1  }
0x17: {  	s4 =	simm.s32 $0x1BF5;
	[smem:$0x3FBC] =	sst s0  }
0x18: {  	s0 =	sld [smem:$0x3F9F];
	_ =	swait.ge [sflag:s4], $0x0  }
0x19: {  	s7 =	sld [smem:$0x3FA0]  }
0x1a: {  	s8 =	sadd.s32 $0xFFFFE003, lr  }
0x1b: {  	s9 =	sadd.s32 $0xFFFFFEF7, lr;
	s5 =	simm.s32 $0xFFFFFFFF;
	p2 =	slt.u32 s8, $0xFFFFF086  }
0x1c: {  	p1 =	slt.u32 s9, $0xF7A;
	s5 =	simm.s32 @!p2 $0x0  }
0x1d: {  	s5 =	simm.s32 @p1 $0x1;
	p0 =	seq.s32 s7, s2  }
0x1e: {  	s7 =	smul.u32 @!p0 $0xF7A, s2;
	p2 =	seq.s32 @!p0 s5, $0x0  }
0x1f: {  	s9 =	smul.u32 $0xF7A, s1;
	s8 =	simm.s32 @!p0 $0x1BF5;
	p2 =	por !p2, p0  }
0x20: {  	[sflag:s8] =	ssyncset.s32 @!p0 $0xFFFFF086;
	s6 =	sadd.s32 @!p0 s3, s7;
	s7 =	simm.s32 @!p0 $0x108  }
0x21: {  	s3 =	sadd.s32 s3, s9;
	s6 =	sadd.s32 @!p0 $0x88, s6;
	s7 =	simm.s32 @p2 $0x1082  }
0x22: {  	[simem:s7], [sflag:s8] =	dma.local @!p0 [hbm:s6], $0xF7A  }
0x23: {  	s9 =	sor.u32 $0xD0000000, s2;
	s6 =	simm.s32 $0x108;
	_ =	swait.ge @!p0 [sflag:s8], $0x0  }
0x24: {  	s3 =	sadd.s32 $0x88, s3;
	s6 =	simm.s32 @!p1 $0x1082;
	[sflag:s4] =	ssyncset.s32 $0xFFFFF086  }
0x25: {  	[simem:s6], [sflag:s4] =	dma.local [hbm:s3], $0xF7A  }
0x26: {  	[smem:$0x3FA0] =	sst s1;
	(tag) =	ssettag s2;
	_ =	strace s9  }
0x27: {  	s1 =	sld [smem:$0x3FB0]  }
0x28: {  	s2 =	sld [smem:$0x3FB1]  }
0x29: {  	s4 =	sld [smem:$0x3FB3]  }
0x2a: {  	p0 =	seq.s32 s5, $0x0;
	s5 =	sld [smem:$0x3FB4]  }
0x2b: {  	s6 =	sld [smem:$0x3FB5]  }
0x2c: {  	s7 =	sld [smem:$0x3FB6]  }
0x2d: {  	s3 =	simm.s32 $0x108;
	s8 =	sld [smem:$0x3FB7]  }
0x2e: {  	s3 =	simm.s32 @!p0 $0x1082;
	s9 =	sld [smem:$0x3FB8]  }
0x2f: {  	lr =	sadd.s32 s0, s3;
	s0 =	sld [smem:$0x3FAF]  }
0x30: {  	s3 =	sld [smem:$0x3FB2]  }
0x31: {  	[smem:$0x3FBB] =	sst s10  }
0x32: {  	s10 =	sld [smem:$0x3FB9];
	_ =	sdelay $0x3  }
0x33: {  	p0 =	seq.s32 s10, $0x1;
	s10 =	sld [smem:$0x3FBB];
	_ =	sdelay $0x3  }
0x34: {  	[smem:$0x3FBB] =	sst s10  }
0x35: {  	s10 =	sld [smem:$0x3FBA];
	_ =	sdelay $0x3  }
0x36: {  	p1 =	seq.s32 s10, $0x1;
	s10 =	sld [smem:$0x3FBB];
	_ =	sdelay $0x3  }
0x37: {  	[smem:$0x3FBB] =	sst s10  }
0x38: {  	s10 =	sld [smem:$0x3FBC]  }
0x39: {  	_ = 	snop;
	(pc) =	sbr.ind lr, $3  }
0x3a: {  	_ = 	snop  }
0x3b: {  	_ = 	snop  }
0x3c: {  	p2 =	seq.s32 s10, $0x1;
	s10 =	sld [smem:$0x3FBB]  }
0x3d: {  	_ =	shalt  }
0x3e: {  	_ =	shalt  }
0x3f: {  	_ =	shalt  }
0x40: {  	_ =	shalt  }
0x41: {  	_ =	shalt  }
0x42: {  	_ =	shalt  }
0x43: {  	_ =	shalt  }
0x44: {  	_ =	shalt  }
0x45: {  	_ =	shalt  }
0x46: {  	_ =	shalt  }
0x47: {  	_ =	shalt  }
0x48: {  	_ =	shalt  }
0x49: {  	_ =	shalt  }
0x4a: {  	_ =	shalt  }
0x4b: {  	_ =	shalt  }
0x4c: {  	_ =	shalt  }
0x4d: {  	_ =	shalt  }
0x4e: {  	_ =	shalt  }
0x4f: {  	_ =	shalt  }
0x50: {  	_ =	shalt  }
0x51: {  	_ =	shalt  }
0x52: {  	_ =	shalt  }
0x53: {  	_ =	shalt  }
0x54: {  	_ =	shalt  }
0x55: {  	_ =	shalt  }
0x56: {  	_ =	shalt  }
0x57: {  	_ =	shalt  }
0x58: {  	_ =	shalt  }
0x59: {  	_ =	shalt  }
0x5a: {  	_ =	shalt  }
0x5b: {  	_ =	shalt  }
0x5c: {  	_ =	shalt  }
0x5d: {  	_ =	shalt  }
0x5e: {  	_ =	shalt  }
0x5f: {  	_ =	shalt  }
0x60: {  	_ =	shalt  }
0x61: {  	_ =	shalt  }
0x62: {  	_ =	shalt  }
0x63: {  	_ =	shalt  }
0x64: {  	_ =	shalt  }
0x65: {  	_ =	shalt  }
0x66: {  	_ =	shalt  }
0x67: {  	_ =	shalt  }
0x68: {  	_ =	shalt  }
0x69: {  	_ =	shalt  }
0x6a: {  	_ =	shalt  }
0x6b: {  	_ =	shalt  }
0x6c: {  	_ =	shalt  }
0x6d: {  	_ =	shalt  }
0x6e: {  	_ =	shalt  }
0x6f: {  	_ =	shalt  }
0x70: {  	_ =	shalt  }
0x71: {  	_ =	shalt  }
0x72: {  	_ =	shalt  }
0x73: {  	_ =	shalt  }
0x74: {  	_ =	shalt  }
0x75: {  	_ =	shalt  }
0x76: {  	_ =	shalt  }
0x77: {  	_ =	shalt  }
0x78: {  	_ =	shalt  }
0x79: {  	_ =	shalt  }
0x7a: {  	_ =	shalt  }
0x7b: {  	_ =	shalt  }
0x7c: {  	_ =	shalt  }
0x7d: {  	_ =	shalt  }
0x7e: {  	_ =	shalt  }
0x7f: {  	_ =	shalt  }
0x80: {  	_ =	shalt  }
0x81: {  	_ =	shalt  }
0x82: {  	_ =	shalt  }
0x83: {  	_ =	shalt  }
0x84: {  	_ =	shalt  }
0x85: {  	_ =	shalt  }
0x86: {  	_ =	shalt  }
0x87: {  	_ =	shalt  }
.Lfunc_end0:
.L_simem_size_0:
called_computation_lowered:
.L_overlay_start_0:
0x88: {  	s2 =	sld [smem:$0x3FD9]  }
0x89: {  	s3 =	sld [smem:$0x3FFE];
	_ =	sdelay $0x1  }
0x8a: {  	s1 =	srdreg.scid  }
0x8b: {  	s0 =	sand.u32 $0x1, s1  }
0x8c: {  	s14 =	sshll.u32 s0, $0xA;
	s2 =	sadd.s32 s3, s2  }
0x8d: {  	s2 =	sadd.s32 s2, s14  }
0x8e: {  	[smem:$0x3FC7] =	sst s2  }
0x8f: {  	_ = 	snop  }
0x90: {  	s2 =	sld [smem:$0x3FD0];
	_ =	sdelay $0x2  }
0x91: {  	s15 =	simm.s32 $0xA;
	s4 =	simm.s32 $0x10  }
0x92: {  	[smem:s4], [sflag:s15] =	dma.local [hbm:s2], $0x1  }
0x93: {  	_ =	swait.eq [sflag:s15], $0x1  }
0x94: {  	[sflag:s15] =	ssyncset.done $0x0  }
0x95: {  	[sflag:s15] =	ssyncadd.s32 $0xFFFFFFFF  }
0x96: {  	s16 =	sld [smem:$0x11];
	(tm) =	ssettm $0x1  }
0x97: {  	s17 =	sld [smem:$0x3FFB];
	_ =	sdelay $0x3  }
0x98: {  	_ =	strace s17  }
0x99: {  	s3 =	sld [smem:$0x3FFC];
	_ =	sdelay $0x3  }
0x9a: {  	_ =	strace s3  }
0x9b: {  	s3 =	sld [smem:$0x3FFD];
	_ =	sdelay $0x3  }
0x9c: {  	_ =	strace s3  }
0x9d: {  	_ =	strace $0x8FFFFFFF  }
0x9e: {  	s18 =	sld [smem:$0x3FDB];
	_ =	sdelay $0x1  }
0x9f: {  	s19 =	simm.s32 $_scs_section_size  }
0xa0: {  	s5 =	simm.s32 $_size__tile_overlayer_lowered;
	s6 =	simm.s32 $_tile_overlayer_lowered  }
0xa1: {  	s22 =	simm.s32 $0x1BFF;
	s21 =	sshll.u32 s6, $0x1;
	s3 =	sadd.s32 s19, s18  }
0xa2: {  	s7 =	simm.s32 $0x0;
	s20 =	sshll.u32 s5, $0x1;
	s5 =	sadd.s32 s21, s3  }
0xa3: {  	[timem:s7], [sflag:s22] =	dma.local [hbm:s5], s20  }
0xa4: {  	_ =	swait.ge [sflag:s22], s20  }
0xa5: {  	s4 =	ssub.s32 $0x0, s20;
	[sflag:s22] =	ssyncset.done $0x0  }
0xa6: {  	[sflag:s22] =	ssyncadd.s32 s4;
	_ =	sdelay $0x1  }
0xa7: {  	s23 =	simm.s32 $0x1B8B  }
0xa8: {  	_ =	swait.ge [sflag:s23], $0x1  }
0xa9: {  	[sflag:s23] =	ssyncset.done $0x0  }
0xaa: {  	s25 =	simm.s32 $0x1B8E;
	s24 =	sld [smem:$0x3FFE];
	[sflag:s23] =	ssyncadd.s32 $0xFFFFFFFF  }
0xab: {  	s26 =	simm.s32 $execute0_lowered;
	[smem:$0x3FD2] =	sst s25  }
0xac: {  	s5 =	sshll.u32 s26, $0x1;
	_ =	strace $0x80000046;
	[dreg:$0x1] =	wrdreg $0xFFFFFFFF  }
0xad: {  	s28 =	simm.s32 $_size_execute0_lowered;
	s3 =	sadd.s32 s3, s5;
	[dreg:$0x0] =	wrdreg $0x0  }
0xae: {  	s5 =	sshll.u32 s28, $0x1;
	[dreg:$0x2] =	wrdreg s3  }
0xaf: {  	[dreg:$0x3] =	wrdreg s5  }
0xb0: {  	[dreg:$0x4] =	wrdreg $0xC0  }
0xb1: {  	_ =	task [dreg:s7], $0x5FFFF  }
0xb2: {  	[dreg:$0x1] =	wrdreg $0xFFFFFFFF  }
0xb3: {  	[dreg:$0x0] =	wrdreg $0x60  }
0xb4: {  	[dreg:$0x2] =	wrdreg s24  }
0xb5: {  	[dreg:$0x3] =	wrdreg s16  }
0xb6: {  	[dreg:$0x4] =	wrdreg $0x9  }
0xb7: {  	_ =	task.clear_ibuf [dreg:s7], $0x5FFFF;
	_ =	strace $0x90000046  }
0xb8: {  	s29 =	simm.s32 $0x9;
	_ =	strace $0x80000048  }
0xb9: {  	_ =	swait.ge [sflag:s29], $0x1  }
0xba: {  	[sflag:s29] =	ssyncadd.s32 $0xFFFFFFFF  }
0xbb: {  	_ =	strace $0x90000048  }
0xbc: {  	_ =	sfence  }
0xbd: {  	s30 =	sld [smem:$0x0];
	_ =	sdelay $0x2  }
0xbe: {  	s31 =	sshll.u32 s1, $0xD;
	s1 =	sshrl.u32 s1, $0x2  }
0xbf: {  	s3 =	sand.u32 $0x4000, s31;
	s1 =	sadd.s32 s1, s30  }
0xc0: {  	s0 =	sor.u32 s3, s0;
	s1 =	sshll.u32 s1, $0x11  }
0xc1: {  	s0 =	sor.u32 s1, s0  }
0xc2: {  	s0 =	sadd.s32 $0x8F2B, s0  }
0xc3: {  	[sflag:s0] =	ssyncadd.remote.s32 $0x1  }
0xc4: {  	_ =	sfence.sel $0xFFFF  }
0xc5: {  	[dreg:$0x0] =	wrdreg $0xFFFFFFFF;
	(pc) =	sbr.abs _section_cstart, $3  }
0xc6: {  	[dreg:$0x1] =	wrdreg $0xFFFFFFFF  }
0xc7: {  	_ =	task.clear_ibuf [dreg:s7], $0x2FFFF;
	_ =	strace $0x9FFFFFFF  }
0xc8: {  	(tm) =	ssettm $0x7FFFFFFF  }
0xc9: {  	_ =	shalt  }
tec
execute0_lowered:
.L_overlay_start_1:
0x0: {  	(tag) =	ssettag $0x1  }
0x1: {  	v0 =	vimm.s32 $0xFEDCBA98;
	v1 =	vimm.s32 $0x76543210  }
0x2: {  	v2 =	vimm.s32 $0xBA98FEDC;
	v3 =	vimm.s32 $0x32107654;
	v4 =	vimm.s32 $0xDCFE98BA  }
0x3: {  	v5 =	vimm.s32 $0x54761032;
	v6 =	vimm.s32 $0xEFCDAB89;
	v7 =	vimm.s32 $0x67452301  }
0x4: {  	s3 =	rddreg [dreg:$0x0];
	vm0 =	vcmask $0x314;
	vm1 =	vcmask $0x714;
	v0 =	vunpack.c.l.s4.s8 v0  }
0x5: {  	s4 =	rddreg [dreg:$0x1];
	v1 =	vunpack.c.l.s4.s8 v1;
	v2 =	vunpack.c.l.s4.s8 v2;
	v3 =	vunpack.c.l.s4.s8 v3  }
0x6: {  	s0 =	rddreg [dreg:$0x2];
	s5 =	srdreg.scid;
	v4 =	vunpack.c.l.s4.s8 v4;
	v5 =	vunpack.c.l.s4.s8 v5;
	v6 =	vunpack.c.l.s4.s8 v6  }
0x7: {  	s1 =	stileid.u32;
	s2 =	simm.s32 $0x0;
	s8 =	simm.s32 $0x1;
	v7 =	vunpack.c.l.s4.s8 v7;
	v0 =	vunpack.c.0.s8.s32 v0;
	v2 =	vunpack.c.0.s8.s32 v2  }
0x8: {  	s9 =	simm.s32 $0x4000;
	s5 =	sand.u32 $0x1, s5;
	s6 =	sshll.u32 s1, $0x1;
	v3 =	vunpack.c.0.s8.s32 v3;
	v4 =	vunpack.c.0.s8.s32 v4;
	v5 =	vunpack.c.0.s8.s32 v5  }
0x9: {  	s10 =	simm.s32 $0x0;
	[smem:$0x7FF] =	sst s2;
	s6 =	sor.u32 s5, s6;
	v1 =	vunpack.c.0.s8.s32 v1;
	v6 =	vunpack.c.0.s8.s32 v6;
	v7 =	vunpack.c.0.s8.s32 v7  }
0xa: {  	_ =	strace $0x80000047;
	s5 =	ssub.s32 $0x2, s5;
	s7 =	sshll.u32 s6, $0x11;
	v2 =	vcombine.low v3, v2;
	v3 =	vcombine.low v5, v4;
	v0 =	vand.u32 $0xF, v0  }
0xb: {  	vm2 =	vcmask $0xB14;
	s31 =	sshrl.u32 s5, $0x1;
	s6 =	sshll.u32 s6, $0xC;
	s3 =	sadd.s32 s7, s3;
	v4 =	vcombine.low v7, v6;
	v0 =	vcombine.low v0, v1  }
0xc: {  	s5 =	ssub.s32 s5, s31;
	s4 =	sadd.s32 s4, s6;
	s6 =	simm.s32 $0x80;
	v1 =	vand.u32 $0xF, v2;
	v2 =	vand.u32 $0xF, v3;
	v3 =	vlaneseq.u32  }
0xd: {  	vm3 =	vcmask $0xF14;
	s7 =	simm.s32 $0x2000;
	s3 =	sadd.s32 $0x400600, s3;
	s5 =	smax.u32 s5, $0x1;
	v4 =	vand.u32 $0xF, v4;
	v5 =	vmul.u32 $0x80, v3  }
.LBB2_1:
0xe: {  	s11 =	simm.s32 $0x0  }
.LBB2_2:
0xf: {  	s12 =	sshll.u32 s11, $0x4  }
0x10: {  	s13 =	sadd.s32 s12, s3;
	s12 =	simm.s32 $0x0  }
0x11: {  	[tilespmem:s12], [sflag:$0x1] =	stream.strided.gather [hbm4b:s13+s6], $0x4000, s7, s6, $0x38;
	[tilespmem:$0x4200] =	vst v63  }
0x12: {  	_ =	swait.ge [sflag:s8], $0x4000  }
0x13: {  	[sflag:s8] =	ssyncset.done $0x0  }
0x14: {  	[sflag:s8] =	ssyncadd.s32 $0xFFFFC000  }
0x15: {  	v7 =	vld [tilespmem:s12+$0x0];
	_ =	sdelay $0x3  }
0x16: {  	v8 =	vimm.f32 $-2.000000000e+00  }
0x17: {  	v6 =	vimm.s32 $0x0;
	s14 =	simm.s32 $0x80;
	s13 =	simm.s32 $0x1;
	vm4 =	vgt.f32 v7, v8  }
.LBB2_3:
0x18: {  	p0 =	sne.s32 s13, $0x7F;
	v8 =	vsel vm4, v7, v8;
	v7 =	vld [tilespmem:s14+$0x0];
	v6 =	vsel vm4, s12, v6;
	s12 =	smov.u32 s13;
	s13 =	sadd.s32 $0x1, s13  }
.Ltmp0:
0x19: {  	(pc) =	sbr.rel @p0 .LBB2_3-.Ltmp0, $2  }
0x1a: {  	_ =	sdelay $0x2  }
0x1b: {  	s14 =	sadd.s32 $0x80, s14;
	vm4 =	vgt.f32 v7, v8  }
0x1c: {  	v7 =	vsel vm4, v7, v8  }
0x1d: {  	v8 =	vperm.xlane v7, v0;
	_ =	sdelay $0x1  }
0x1e: {  	v8 =	vmax.f32 v7, v8  }
0x1f: {  	v9 =	vperm.xlane v8, v1;
	_ =	sdelay $0x1  }
0x20: {  	v8 =	vmax.f32 v8, v9  }
0x21: {  	v9 =	vperm.xlane v8, v2;
	_ =	sdelay $0x1  }
0x22: {  	v8 =	vmax.f32 v8, v9  }
0x23: {  	v9 =	vperm.xlane v8, v4;
	_ =	sdelay $0x1  }
0x24: {  	v6 =	vsel vm4, s12, v6;
	v8 =	vmax.f32 v8, v9  }
0x25: {  	v6 =	vadd.s32 v5, v6;
	vm4 =	veq.f32 v7, v8  }
0x26: {  	v6 =	vnsel vm4, $0x1000, v6  }
0x27: {  	v7 =	vperm.xlane v6, v0;
	_ =	sdelay $0x1  }
0x28: {  	vm4 =	vlt.s32 v6, v7  }
0x29: {  	v6 =	vsel vm4, v6, v7  }
0x2a: {  	v7 =	vperm.xlane v6, v1;
	_ =	sdelay $0x1  }
0x2b: {  	vm4 =	vlt.s32 v6, v7  }
0x2c: {  	v6 =	vsel vm4, v6, v7  }
0x2d: {  	v7 =	vperm.xlane v6, v2;
	_ =	sdelay $0x1  }
0x2e: {  	vm4 =	vlt.s32 v6, v7  }
0x2f: {  	v6 =	vsel vm4, v6, v7  }
0x30: {  	v7 =	vperm.xlane v6, v4;
	_ =	sdelay $0x1  }
0x31: {  	vm4 =	vlt.s32 v6, v7  }
0x32: {  	v6 =	vsel vm4, v6, v7  }
0x33: {  	(v2sf) =	vpush v6, $0x0;
	_ =	sdelay $0xe  }
0x34: {  	s31 =	spop (v2sf)  }
0x35: {  	s12 =	sshll.u32 s31, $0x7  }
0x36: {  	s12 =	sand.u32 $0x3F80, s12  }
0x37: {  	v7 =	vld [tilespmem:s12+$0x0];
	_ =	sdelay $0x2  }
0x38: {  	v8 =	vshra.s32 v6, $0x7  }
0x39: {  	vm4 =	veq.s32 v8, v3  }
0x3a: {  	v9 =	vld [tilespmem:s12+$0x10];
	v7 =	vsel vm4, $0xBF800000, v7  }
0x3b: {  	v12 =	vld [tilespmem:s12+$0x20];
	[tilespmem:s12+$0x0] =	vst v7;
	s12 =	simm.s32 $0x0  }
0x3c: {  	v10 =	vld [tilespmem:s12+$0x0];
	_ =	sdelay $0x2  }
0x3d: {  	v7 =	vand.u32 $0xF, v8  }
0x3e: {  	v11 =	vimm.f32 $-2.000000000e+00;
	v8 =	vperm.xlane v9, v7  }
0x3f: {  	s13 =	simm.s32 $0x1;
	s14 =	simm.s32 $0x80;
	v7 =	vperm.xlane v12, v7;
	v9 =	vimm.s32 $0x0;
	vm4 =	vgt.f32 v10, v11  }
.LBB2_5:
0x40: {  	p0 =	sne.s32 s13, $0x7F;
	v11 =	vsel vm4, v10, v11;
	v10 =	vld [tilespmem:s14+$0x0];
	v9 =	vsel vm4, s12, v9;
	s12 =	smov.u32 s13;
	s13 =	sadd.s32 $0x1, s13  }
.Ltmp1:
0x41: {  	(pc) =	sbr.rel @p0 .LBB2_5-.Ltmp1, $2  }
0x42: {  	_ =	sdelay $0x2  }
0x43: {  	s14 =	sadd.s32 $0x80, s14;
	vm4 =	vgt.f32 v10, v11  }
0x44: {  	v10 =	vsel vm4, v10, v11  }
0x45: {  	v11 =	vperm.xlane v10, v0;
	_ =	sdelay $0x1  }
0x46: {  	v11 =	vmax.f32 v10, v11  }
0x47: {  	v12 =	vperm.xlane v11, v1;
	_ =	sdelay $0x1  }
0x48: {  	v11 =	vmax.f32 v11, v12  }
0x49: {  	v12 =	vperm.xlane v11, v2;
	_ =	sdelay $0x1  }
0x4a: {  	v11 =	vmax.f32 v11, v12  }
0x4b: {  	v12 =	vperm.xlane v11, v4;
	_ =	sdelay $0x1  }
0x4c: {  	v9 =	vsel vm4, s12, v9;
	v11 =	vmax.f32 v11, v12  }
0x4d: {  	v9 =	vadd.s32 v5, v9;
	vm4 =	veq.f32 v10, v11  }
0x4e: {  	v9 =	vnsel vm4, $0x1000, v9  }
0x4f: {  	v10 =	vperm.xlane v9, v0;
	_ =	sdelay $0x1  }
0x50: {  	vm4 =	vlt.s32 v9, v10  }
0x51: {  	v9 =	vsel vm4, v9, v10  }
0x52: {  	v10 =	vperm.xlane v9, v1;
	_ =	sdelay $0x1  }
0x53: {  	vm4 =	vlt.s32 v9, v10  }
0x54: {  	v9 =	vsel vm4, v9, v10  }
0x55: {  	v10 =	vperm.xlane v9, v2;
	_ =	sdelay $0x1  }
0x56: {  	vm4 =	vlt.s32 v9, v10  }
0x57: {  	v9 =	vsel vm4, v9, v10  }
0x58: {  	v10 =	vperm.xlane v9, v4;
	_ =	sdelay $0x1  }
0x59: {  	vm4 =	vlt.s32 v9, v10  }
0x5a: {  	v9 =	vsel vm4, v9, v10  }
0x5b: {  	(v2sf) =	vpush v9, $0x0;
	_ =	sdelay $0xe  }
0x5c: {  	s31 =	spop (v2sf)  }
0x5d: {  	s12 =	sshll.u32 s31, $0x7  }
0x5e: {  	s12 =	sand.u32 $0x3F80, s12  }
0x5f: {  	v10 =	vld [tilespmem:s12+$0x0];
	_ =	sdelay $0x2  }
0x60: {  	v11 =	vshra.s32 v9, $0x7  }
0x61: {  	vm4 =	veq.s32 v11, v3  }
0x62: {  	v12 =	vld [tilespmem:s12+$0x10];
	v10 =	vsel vm4, $0xBF800000, v10  }
0x63: {  	v15 =	vld [tilespmem:s12+$0x20];
	[tilespmem:s12+$0x0] =	vst v10;
	s12 =	simm.s32 $0x0  }
0x64: {  	v13 =	vld [tilespmem:s12+$0x0];
	_ =	sdelay $0x2  }
0x65: {  	v11 =	vand.u32 $0xF, v11  }
0x66: {  	v14 =	vimm.f32 $-2.000000000e+00;
	v10 =	vperm.xlane v12, v11  }
0x67: {  	s13 =	simm.s32 $0x1;
	s14 =	simm.s32 $0x80;
	v11 =	vperm.xlane v15, v11;
	v12 =	vimm.s32 $0x0;
	vm4 =	vgt.f32 v13, v14  }
.LBB2_7:
0x68: {  	p0 =	sne.s32 s13, $0x7F;
	v14 =	vsel vm4, v13, v14;
	v13 =	vld [tilespmem:s14+$0x0];
	v12 =	vsel vm4, s12, v12;
	s12 =	smov.u32 s13;
	s13 =	sadd.s32 $0x1, s13  }
.Ltmp2:
0x69: {  	(pc) =	sbr.rel @p0 .LBB2_7-.Ltmp2, $2  }
0x6a: {  	_ =	sdelay $0x2  }
0x6b: {  	s14 =	sadd.s32 $0x80, s14;
	vm4 =	vgt.f32 v13, v14  }
0x6c: {  	v13 =	vsel vm4, v13, v14  }
0x6d: {  	v14 =	vperm.xlane v13, v0;
	_ =	sdelay $0x1  }
0x6e: {  	v14 =	vmax.f32 v13, v14  }
0x6f: {  	v15 =	vperm.xlane v14, v1;
	_ =	sdelay $0x1  }
0x70: {  	v14 =	vmax.f32 v14, v15  }
0x71: {  	v15 =	vperm.xlane v14, v2;
	_ =	sdelay $0x1  }
0x72: {  	v14 =	vmax.f32 v14, v15  }
0x73: {  	v15 =	vperm.xlane v14, v4;
	_ =	sdelay $0x1  }
0x74: {  	v12 =	vsel vm4, s12, v12;
	v14 =	vmax.f32 v14, v15  }
0x75: {  	v12 =	vadd.s32 v5, v12;
	vm4 =	veq.f32 v13, v14  }
0x76: {  	v12 =	vnsel vm4, $0x1000, v12  }
0x77: {  	v13 =	vperm.xlane v12, v0;
	_ =	sdelay $0x1  }
0x78: {  	vm4 =	vlt.s32 v12, v13  }
0x79: {  	v12 =	vsel vm4, v12, v13  }
0x7a: {  	v13 =	vperm.xlane v12, v1;
	_ =	sdelay $0x1  }
0x7b: {  	vm4 =	vlt.s32 v12, v13  }
0x7c: {  	v12 =	vsel vm4, v12, v13  }
0x7d: {  	v13 =	vperm.xlane v12, v2;
	_ =	sdelay $0x1  }
0x7e: {  	vm4 =	vlt.s32 v12, v13  }
0x7f: {  	v12 =	vsel vm4, v12, v13  }
0x80: {  	v13 =	vperm.xlane v12, v4;
	_ =	sdelay $0x1  }
0x81: {  	vm4 =	vlt.s32 v12, v13  }
0x82: {  	v12 =	vsel vm4, v12, v13  }
0x83: {  	(v2sf) =	vpush v12, $0x0;
	_ =	sdelay $0xe  }
0x84: {  	s31 =	spop (v2sf)  }
0x85: {  	s12 =	sshll.u32 s31, $0x7  }
0x86: {  	s12 =	sand.u32 $0x3F80, s12  }
0x87: {  	v13 =	vld [tilespmem:s12+$0x0];
	_ =	sdelay $0x2  }
0x88: {  	v14 =	vshra.s32 v12, $0x7  }
0x89: {  	vm4 =	veq.s32 v14, v3  }
0x8a: {  	v15 =	vld [tilespmem:s12+$0x10];
	v13 =	vsel vm4, $0xBF800000, v13  }
0x8b: {  	v18 =	vld [tilespmem:s12+$0x20];
	[tilespmem:s12+$0x0] =	vst v13;
	s12 =	simm.s32 $0x0  }
0x8c: {  	v16 =	vld [tilespmem:s12+$0x0];
	_ =	sdelay $0x2  }
0x8d: {  	v14 =	vand.u32 $0xF, v14  }
0x8e: {  	v17 =	vimm.f32 $-2.000000000e+00;
	v13 =	vperm.xlane v15, v14  }
0x8f: {  	s13 =	simm.s32 $0x1;
	s14 =	simm.s32 $0x80;
	v14 =	vperm.xlane v18, v14;
	v15 =	vimm.s32 $0x0;
	vm4 =	vgt.f32 v16, v17  }
.LBB2_9:
0x90: {  	p0 =	sne.s32 s13, $0x7F;
	v17 =	vsel vm4, v16, v17;
	v16 =	vld [tilespmem:s14+$0x0];
	v15 =	vsel vm4, s12, v15;
	s12 =	smov.u32 s13;
	s13 =	sadd.s32 $0x1, s13  }
.Ltmp3:
0x91: {  	(pc) =	sbr.rel @p0 .LBB2_9-.Ltmp3, $2  }
0x92: {  	_ =	sdelay $0x2  }
0x93: {  	s14 =	sadd.s32 $0x80, s14;
	vm4 =	vgt.f32 v16, v17  }
0x94: {  	v16 =	vsel vm4, v16, v17  }
0x95: {  	v17 =	vperm.xlane v16, v0;
	_ =	sdelay $0x1  }
0x96: {  	v17 =	vmax.f32 v16, v17  }
0x97: {  	v18 =	vperm.xlane v17, v1;
	_ =	sdelay $0x1  }
0x98: {  	v17 =	vmax.f32 v17, v18  }
0x99: {  	v18 =	vperm.xlane v17, v2;
	_ =	sdelay $0x1  }
0x9a: {  	v17 =	vmax.f32 v17, v18  }
0x9b: {  	v18 =	vperm.xlane v17, v4;
	_ =	sdelay $0x1  }
0x9c: {  	v15 =	vsel vm4, s12, v15;
	v17 =	vmax.f32 v17, v18  }
0x9d: {  	v15 =	vadd.s32 v5, v15;
	vm4 =	veq.f32 v16, v17  }
0x9e: {  	v15 =	vnsel vm4, $0x1000, v15  }
0x9f: {  	v16 =	vperm.xlane v15, v0;
	_ =	sdelay $0x1  }
0xa0: {  	vm4 =	vlt.s32 v15, v16  }
0xa1: {  	v15 =	vsel vm4, v15, v16  }
0xa2: {  	v16 =	vperm.xlane v15, v1;
	_ =	sdelay $0x1  }
0xa3: {  	vm4 =	vlt.s32 v15, v16  }
0xa4: {  	v15 =	vsel vm4, v15, v16  }
0xa5: {  	v16 =	vperm.xlane v15, v2;
	_ =	sdelay $0x1  }
0xa6: {  	vm4 =	vlt.s32 v15, v16  }
0xa7: {  	v15 =	vsel vm4, v15, v16  }
0xa8: {  	v16 =	vperm.xlane v15, v4;
	_ =	sdelay $0x1  }
0xa9: {  	vm4 =	vlt.s32 v15, v16  }
0xaa: {  	v15 =	vsel vm4, v15, v16  }
0xab: {  	(v2sf) =	vpush v15, $0x0;
	_ =	sdelay $0xe  }
0xac: {  	s31 =	spop (v2sf)  }
0xad: {  	s12 =	sshll.u32 s31, $0x7  }
0xae: {  	s12 =	sand.u32 $0x3F80, s12  }
0xaf: {  	v16 =	vld [tilespmem:s12+$0x0];
	_ =	sdelay $0x2  }
0xb0: {  	v17 =	vshra.s32 v15, $0x7  }
0xb1: {  	vm4 =	veq.s32 v17, v3  }
0xb2: {  	v18 =	vld [tilespmem:s12+$0x10];
	v16 =	vsel vm4, $0xBF800000, v16  }
0xb3: {  	v21 =	vld [tilespmem:s12+$0x20];
	[tilespmem:s12+$0x0] =	vst v16;
	s12 =	simm.s32 $0x0  }
0xb4: {  	v19 =	vld [tilespmem:s12+$0x0];
	_ =	sdelay $0x2  }
0xb5: {  	v16 =	vand.u32 $0xF, v17  }
0xb6: {  	v20 =	vimm.f32 $-2.000000000e+00;
	v17 =	vperm.xlane v18, v16  }
0xb7: {  	s13 =	simm.s32 $0x1;
	s14 =	simm.s32 $0x80;
	v16 =	vperm.xlane v21, v16;
	v18 =	vimm.s32 $0x0;
	vm4 =	vgt.f32 v19, v20  }
.LBB2_11:
0xb8: {  	p0 =	sne.s32 s13, $0x7F;
	v20 =	vsel vm4, v19, v20;
	v19 =	vld [tilespmem:s14+$0x0];
	v18 =	vsel vm4, s12, v18;
	s12 =	smov.u32 s13;
	s13 =	sadd.s32 $0x1, s13  }
.Ltmp4:
0xb9: {  	(pc) =	sbr.rel @p0 .LBB2_11-.Ltmp4, $2  }
0xba: {  	_ =	sdelay $0x2  }
0xbb: {  	s14 =	sadd.s32 $0x80, s14;
	vm4 =	vgt.f32 v19, v20  }
0xbc: {  	v19 =	vsel vm4, v19, v20  }
0xbd: {  	v20 =	vperm.xlane v19, v0;
	_ =	sdelay $0x1  }
0xbe: {  	v20 =	vmax.f32 v19, v20  }
0xbf: {  	v21 =	vperm.xlane v20, v1;
	_ =	sdelay $0x1  }
0xc0: {  	v20 =	vmax.f32 v20, v21  }
0xc1: {  	v21 =	vperm.xlane v20, v2;
	_ =	sdelay $0x1  }
0xc2: {  	v20 =	vmax.f32 v20, v21  }
0xc3: {  	v21 =	vperm.xlane v20, v4;
	_ =	sdelay $0x1  }
0xc4: {  	v18 =	vsel vm4, s12, v18;
	v20 =	vmax.f32 v20, v21  }
0xc5: {  	v18 =	vadd.s32 v5, v18;
	vm4 =	veq.f32 v19, v20  }
0xc6: {  	v18 =	vnsel vm4, $0x1000, v18  }
0xc7: {  	v55 =	vperm.xlane v18, v0;
	_ =	sdelay $0x1  }
0xc8: {  	vm4 =	vlt.s32 v18, v55  }
0xc9: {  	v18 =	vsel vm4, v18, v55  }
0xca: {  	v19 =	vperm.xlane v18, v1;
	_ =	sdelay $0x1  }
0xcb: {  	vm4 =	vlt.s32 v18, v19  }
0xcc: {  	v18 =	vsel vm4, v18, v19  }
0xcd: {  	v19 =	vperm.xlane v18, v2;
	_ =	sdelay $0x1  }
0xce: {  	vm4 =	vlt.s32 v18, v19  }
0xcf: {  	v18 =	vsel vm4, v18, v19  }
0xd0: {  	v19 =	vperm.xlane v18, v4;
	_ =	sdelay $0x1  }
0xd1: {  	vm4 =	vlt.s32 v18, v19  }
0xd2: {  	v18 =	vsel vm4, v18, v19  }
0xd3: {  	(v2sf) =	vpush v18, $0x0;
	_ =	sdelay $0xe  }
0xd4: {  	s30 =	spop (v2sf)  }
0xd5: {  	s12 =	sshll.u32 s30, $0x7  }
0xd6: {  	v6 =	vcvt.s32.f32 v6;
	s12 =	sand.u32 $0x3F80, s12  }
0xd7: {  	v9 =	vcvt.s32.f32 v9;
	vm4 =	vmmov $0x1;
	v56 =	vld [tilespmem:s12+$0x0]  }
0xd8: {  	v12 =	vcvt.s32.f32 v12;
	v59 =	vcvt.s32.f32 v15;
	v6 =	vnsel vm4, $0x0, v6;
	v57 =	vld [tilespmem:s12+$0x10]  }
0xd9: {  	v8 =	vnsel vm4, $0x0, v8;
	v7 =	vnsel vm4, $0x0, v7;
	v60 =	vshra.s32 v18, $0x7;
	v58 =	vld [tilespmem:s12+$0x20]  }
0xda: {  	v61 =	vcvt.s32.f32 v18;
	v6 =	vsel vm0, v6, v9;
	v8 =	vsel vm0, v8, v10  }
0xdb: {  	v7 =	vsel vm0, v7, v11;
	vm4 =	veq.s32 v60, v3;
	v11 =	vand.u32 $0xF, v60  }
0xdc: {  	v6 =	vsel vm1, v6, v12;
	v8 =	vsel vm1, v8, v13;
	v7 =	vsel vm1, v7, v14  }
0xdd: {  	v6 =	vsel vm2, v6, v59;
	v62 =	vperm.xlane v57, v11;
	v63 =	vsel vm4, $0xBF800000, v56  }
0xde: {  	v8 =	vsel vm2, v8, v17;
	v6 =	vsel vm3, v6, v61;
	v9 =	vperm.xlane v58, v11;
	[tilespmem:s12+$0x0] =	vst v63  }
0xdf: {  	s31 =	sshll.u32 s11, $0x6;
	s11 =	sadd.s32 $0x1, s11;
	v7 =	vsel vm2, v7, v16;
	v8 =	vsel vm3, v8, v62;
	[tilespmem:$0x4000] =	vst v6  }
0xe0: {  	p0 =	sne.s32 s11, $0x40;
	v6 =	vsel vm3, v7, v9;
	[tilespmem:$0x4080] =	vst v8  }
.Ltmp5:
0xe1: {  	s12 =	sadd.s32 s31, s4;
	[tilespmem:$0x4100] =	vst v6;
	(pc) =	sbr.rel @p0 .LBB2_2-.Ltmp5, $4  }
0xe2: {  	[hbm4b:s12+s2] =	stream.linear.scatter [tilespmem:s9], [sflag:$0x1], $0x180, $0x38;
	[tilespmem:$0x4200] =	vst v63  }
0xe3: {  	_ =	swait.ge [sflag:s8], $0x180  }
0xe4: {  	[sflag:s8] =	ssyncset.done $0x0  }
0xe5: {  	[sflag:s8] =	ssyncadd.s32 $0xFFFFFE80  }
0xe6: {  	s10 =	sadd.s32 $0x1, s10  }
0xe7: {  	p0 =	sne.s32 s10, s5  }
.Ltmp6:
0xe8: {  	_ = 	snop;
	(pc) =	sbr.rel @p0 .LBB2_1-.Ltmp6, $1  }
0xe9: {  	_ =	sdelay $0x3  }
0xea: {  	_ =	sfence.sel $0x180000  }
0xeb: {  	[bflag:$0x0] =	sbarrier.arrive $0xFFFF  }
0xec: {  	p0 =	sne.s32 s1, $0x0;
	_ =	strace $0x90000047  }
0xed: {  	s0 =	sadd.s32 @!p0 $0x100000, s0;
	[bflag:$0x2] =	sbarrier.arrive $0xFFFF  }
0xee: {  	[sflag:s0] =	ssyncadd.tile.s32 @!p0 $0x1;
	_ =	shalt  }
.Lfunc_end2:
_tile_overlayer_lowered:
.L_overlay_start_2:
0xef: {  	(tag) =	ssettag $0x2  }
0xf0: {  	s0 =	rddreg [dreg:$0x0];
	s2 =	stileid.u32  }
0xf1: {  	s1 =	rddreg [dreg:$0x1];
	p0 =	sne.s32 s2, $0x0  }
0xf2: {  	s3 =	rddreg [dreg:$0x2];
	[bflag:$0x3] =	sbarrier.arrive $0xFFFF;
	s2 =	simm.s32 @!p0 $0x1C01  }
0xf3: {  	[timem:s3], [sflag:s2] =	dma.local @!p0 [hbm:s0], s1  }
0xf4: {  	s0 =	simm.s32 @!p0 $0x1  }
0xf5: {  	_ =	swait.ge @!p0 [sflag:s0], s1  }
0xf6: {  	s1 =	ssub.s32 @!p0 $0x0, s1;
	[sflag:s0] =	ssyncset.done @!p0 $0x0  }
0xf7: {  	[sflag:s0] =	ssyncadd.s32 @!p0 s1  }
0xf8: {  	[bflag:$0x3] =	sbarrier.arrive $0xFFFF  }
0xf9: {  	_ =	shalt  }

</sc_bundles>
